<compile_context>
chip_gen: v7x
topology: tpu7x:2x2x1
jax: 0.10.2.dev20260603
libtpu: 0.0.44.dev20260713+nightly
codegen_flags: <defaults>
</compile_context>

<pallas_src>
import functools

import jax
import jax.numpy as jnp
from jax import lax
from jax.experimental import pallas as pl
from jax.experimental.pallas import tpu as pltpu
from jax.experimental.pallas import tpu_sc as plsc

_LANES = 16


def _make_sc_kernel(B, SEQ):
    info = plsc.get_sparse_core_info()
    NC, NS = info.num_cores, info.num_subcores
    NW = NC * NS
    R = B // NW
    N = R * SEQ
    G = R // _LANES
    assert R % _LANES == 0 and B % NW == 0
    mesh = plsc.VectorSubcoreMesh(core_axis_name="c", subcore_axis_name="s")

    def _reduce(vals_v, out_v, half):
        iota_rows = lax.iota(jnp.int32, _LANES) * SEQ
        gs = range(half * (G // 2), (half + 1) * (G // 2))

        def body(j, accs):
            return tuple(
                acc
                + plsc.load_gather(vals_v, [iota_rows + (g * _LANES * SEQ + j)])
                for acc, g in zip(accs, gs)
            )

        zeros = jnp.zeros((_LANES,), jnp.float32)
        accs = lax.fori_loop(0, SEQ, body, (zeros,) * (G // 2), unroll=2)
        for acc, g in zip(accs, gs):
            out_v[pl.ds(g * _LANES, _LANES)] = acc

    @functools.partial(
        pl.kernel,
        out_type=jax.ShapeDtypeStruct((B,), jnp.float32),
        mesh=mesh,
        compiler_params=pltpu.CompilerParams(needs_layout_passes=False),
        scratch_types=dict(
            idx_v=pltpu.VMEM((N,), jnp.int32),
            vals_v=pltpu.VMEM((N,), jnp.float32),
            out_v=pltpu.VMEM((R,), jnp.float32),
            sem_a=pltpu.SemaphoreType.DMA,
            sem_b=pltpu.SemaphoreType.DMA,
        ),
    )
    def sc_kernel(idx_hbm, w_hbm, out_hbm, *, idx_v, vals_v, out_v, sem_a, sem_b):
        wid = lax.axis_index("s") * NC + lax.axis_index("c")
        base = wid * N
        rbase = wid * R
        H = N // 2

        pltpu.sync_copy(idx_hbm.at[pl.ds(base, H)], idx_v.at[pl.ds(0, H)])
        ca = pltpu.async_copy(
            w_hbm.at[idx_v.at[pl.ds(0, H)]], vals_v.at[pl.ds(0, H)], sem_a
        )
        pltpu.sync_copy(idx_hbm.at[pl.ds(base + H, H)], idx_v.at[pl.ds(H, H)])
        cb = pltpu.async_copy(
            w_hbm.at[idx_v.at[pl.ds(H, H)]], vals_v.at[pl.ds(H, H)], sem_b
        )
        ca.wait()
        _reduce(vals_v, out_v, 0)
        cb.wait()
        _reduce(vals_v, out_v, 1)
        pltpu.sync_copy(out_v, out_hbm.at[pl.ds(rbase, R)])

    return sc_kernel


def kernel(inputs_pri, inputs_sec, W_pri, W_sec):
    B, SEQ = inputs_pri.shape
    sc = _make_sc_kernel(B, SEQ)
    out_sec = sc(inputs_sec.reshape(-1).astype(jnp.int32), W_sec[:, 0])
    anchor = (out_sec[0] * 0.0).astype(jnp.int32)
    out_pri = sc(
        inputs_pri.reshape(-1).astype(jnp.int32) + anchor, W_pri[:, 0]
    )
    return (out_pri, out_sec)

# --- scband reference (transcript-rebuilt; emitter-appended) ---
"""Pipeline reference for scband-bi-lingual-44341242364616 (READ-ONLY COPY).

The authoritative reference and input builder live on the scoring server;
editing this copy changes nothing except your own understanding.
"""

import jax, jax.numpy as jnp
import numpy as np

VOCAB_PRI = 1000000
VOCAB_SEC = 100000
EMBED_DIM = 64
BATCH = 4096
SEQ = 50


def setup_inputs(seed: int = 0) -> dict:
    key = jax.random.key(seed)
    k1, k2, k3, k4 = jax.random.split(key, 4)
    inputs_pri = jax.random.randint(k1, (BATCH, SEQ), 0, VOCAB_PRI, dtype=jnp.int64 if jax.config.jax_enable_x64 else jnp.int32)
    inputs_sec = jax.random.randint(k2, (BATCH, SEQ), 0, VOCAB_SEC, dtype=jnp.int64 if jax.config.jax_enable_x64 else jnp.int32)
    W_pri = jax.random.normal(k3, (VOCAB_PRI, EMBED_DIM), dtype=jnp.float32)
    W_sec = jax.random.normal(k4, (VOCAB_SEC, EMBED_DIM), dtype=jnp.float32)
    return {"inputs_pri": inputs_pri, "inputs_sec": inputs_sec, "W_pri": W_pri, "W_sec": W_sec}


def _cadd(embeds):
    # torch: for each batch row i: tot = torch.sum(embeds[i], 0)[0]
    # modern torch semantics: sum over seq dim -> [D], then [0] -> scalar
    # vectorized: sum over axis=1 then take feature 0 -> [B]
    return jnp.sum(embeds, axis=1)[:, 0]


def reference(inputs_pri, inputs_sec, W_pri, W_sec):
    # forwardPri: embedding lookup + cAdd
    embeds_pri = jnp.take(W_pri, inputs_pri, axis=0)  # [B, L, D]
    out_pri = _cadd(embeds_pri)  # [B]
    # forwardSec: embedding lookup + cAdd
    embeds_sec = jnp.take(W_sec, inputs_sec, axis=0)  # [B, L, D]
    out_sec = _cadd(embeds_sec)  # [B]
    return (out_pri, out_sec)

if __name__ == "__main__":
    import jax
    _d = setup_inputs()
    print(jax.jit(kernel)(*tuple(_d.values())))

</pallas_src>

<mosaic_0001>
#map = affine_map<(d0, d1) -> (0)>
module attributes {stable_mosaic.version = 14 : i64} {
  func.func @sc_kernel(%arg0: i32, %arg1: i32, %arg2: memref<204800xi32, #tpu.memory_space<hbm>>, %arg3: memref<100000xf32, #tpu.memory_space<hbm>>, %arg4: memref<4096xf32, #tpu.memory_space<hbm>>, %arg5: memref<6400xi32, #tpu.memory_space<vmem>>, %arg6: memref<128xf32, #tpu.memory_space<vmem>>, %arg7: memref<!tpu.dma_semaphore, #tpu.memory_space<semaphore_mem>>, %arg8: memref<!tpu.dma_semaphore, #tpu.memory_space<semaphore_mem>>, %arg9: memref<6400xf32, #tpu.memory_space<vmem>>) attributes {dimension_semantics = [#tpu.dimension_semantics<core_parallel>, #tpu.dimension_semantics<subcore_parallel>], iteration_bounds = array<i64: 2, 16>, scalar_prefetch = 0 : i64, scratch_operands = 5 : i64, tpu.core_type = #tpu.core_type<sc_vector_subcore>, window_params = [{transform_indices = #map}, {transform_indices = #map}, {transform_indices = #map}]} {
    %mul3A = arith.constant 2 : i32
    %mul3A_0 = arith.muli %arg1, %mul3A : i32
    %add3A = arith.addi %mul3A_0, %arg0 : i32
    %mul3A_1 = arith.constant 6400 : i32
    %mul3A_2 = arith.muli %add3A, %mul3A_1 : i32
    %mul3A_3 = arith.constant 128 : i32
    %mul3A_4 = arith.muli %add3A, %mul3A_3 : i32
    "tpu.region"() ({
      %run_scoped3A = tpu.sem_alloc : memref<!tpu.dma_semaphore, #tpu.memory_space<semaphore_mem>>
      %dma_start3A_65 = arith.constant 0 : i32
      %dma_start3A_66 = tpu.memref_slice %arg5[%dma_start3A_65] : memref<6400xi32, #tpu.memory_space<vmem>> -> memref<3200xi32, #tpu.memory_space<vmem>>
      %dma_start3A_67 = tpu.memref_slice %arg2[%mul3A_2] : memref<204800xi32, #tpu.memory_space<hbm>> -> memref<3200xi32, #tpu.memory_space<hbm>>
      %dma_start3A_68 = arith.constant 0 : i32
      %dma_start3A_69 = tpu.memref_slice %arg5[%dma_start3A_68] : memref<6400xi32, #tpu.memory_space<vmem>> -> memref<3200xi32, #tpu.memory_space<vmem>>
      %dma_start3A_70 = tpu.memref_slice %arg2[%mul3A_2] : memref<204800xi32, #tpu.memory_space<hbm>> -> memref<3200xi32, #tpu.memory_space<hbm>>
      tpu.enqueue_dma source(%dma_start3A_70 : memref<3200xi32, #tpu.memory_space<hbm>>) target(%dma_start3A_69 : memref<3200xi32, #tpu.memory_space<vmem>>) target_semaphore(%run_scoped3A : memref<!tpu.dma_semaphore, #tpu.memory_space<semaphore_mem>>)
      %dma_wait3A_71 = arith.constant 0 : i32
      %dma_wait3A_72 = tpu.memref_slice %arg5[%dma_wait3A_71] : memref<6400xi32, #tpu.memory_space<vmem>> -> memref<3200xi32, #tpu.memory_space<vmem>>
      %dma_wait3A_73 = tpu.memref_slice %arg2[%mul3A_2] : memref<204800xi32, #tpu.memory_space<hbm>> -> memref<3200xi32, #tpu.memory_space<hbm>>
      %dma_wait3A_74 = arith.constant 0 : i32
      %dma_wait3A_75 = tpu.memref_slice %arg5[%dma_wait3A_74] : memref<6400xi32, #tpu.memory_space<vmem>> -> memref<3200xi32, #tpu.memory_space<vmem>>
      %dma_wait3A_76 = tpu.memref_slice %arg2[%mul3A_2] : memref<204800xi32, #tpu.memory_space<hbm>> -> memref<3200xi32, #tpu.memory_space<hbm>>
      tpu.wait_dma2 semaphore(%run_scoped3A : memref<!tpu.dma_semaphore, #tpu.memory_space<semaphore_mem>>) src(%dma_wait3A_76 : memref<3200xi32, #tpu.memory_space<hbm>>) dst(%dma_wait3A_75 : memref<3200xi32, #tpu.memory_space<vmem>>)
      tpu.yield
    }) : () -> ()
    %dma_start3A = arith.constant 0 : i32
    %dma_start3A_5 = tpu.memref_slice %arg9[%dma_start3A] : memref<6400xf32, #tpu.memory_space<vmem>> -> memref<3200xf32, #tpu.memory_space<vmem>>
    %dma_start3A_6 = arith.constant 0 : i32
    %dma_start3A_7 = tpu.memref_slice %arg5[%dma_start3A_6] : memref<6400xi32, #tpu.memory_space<vmem>> -> memref<3200xi32, #tpu.memory_space<vmem>>
    %dma_start3A_8 = arith.constant 0 : i32
    %dma_start3A_9 = tpu.memref_slice %arg3[%dma_start3A_8] : memref<100000xf32, #tpu.memory_space<hbm>> -> memref<100000xf32, #tpu.memory_space<hbm>>
    tpu.enqueue_indirect_dma source(%dma_start3A_9 : memref<100000xf32, #tpu.memory_space<hbm>>) target(%dma_start3A_5 : memref<3200xf32, #tpu.memory_space<vmem>>) offsets(%dma_start3A_7 : memref<3200xi32, #tpu.memory_space<vmem>>) semaphore(%arg7 : memref<!tpu.dma_semaphore, #tpu.memory_space<semaphore_mem>>)
    %add3A_10 = arith.constant 3200 : i32
    %add3A_11 = arith.addi %mul3A_2, %add3A_10 : i32
    "tpu.region"() ({
      %run_scoped3A = tpu.sem_alloc : memref<!tpu.dma_semaphore, #tpu.memory_space<semaphore_mem>>
      %dma_start3A_65 = arith.constant 3200 : i32
      %dma_start3A_66 = tpu.memref_slice %arg5[%dma_start3A_65] : memref<6400xi32, #tpu.memory_space<vmem>> -> memref<3200xi32, #tpu.memory_space<vmem>>
      %dma_start3A_67 = tpu.memref_slice %arg2[%add3A_11] : memref<204800xi32, #tpu.memory_space<hbm>> -> memref<3200xi32, #tpu.memory_space<hbm>>
      %dma_start3A_68 = arith.constant 3200 : i32
      %dma_start3A_69 = tpu.memref_slice %arg5[%dma_start3A_68] : memref<6400xi32, #tpu.memory_space<vmem>> -> memref<3200xi32, #tpu.memory_space<vmem>>
      %dma_start3A_70 = tpu.memref_slice %arg2[%add3A_11] : memref<204800xi32, #tpu.memory_space<hbm>> -> memref<3200xi32, #tpu.memory_space<hbm>>
      tpu.enqueue_dma source(%dma_start3A_70 : memref<3200xi32, #tpu.memory_space<hbm>>) target(%dma_start3A_69 : memref<3200xi32, #tpu.memory_space<vmem>>) target_semaphore(%run_scoped3A : memref<!tpu.dma_semaphore, #tpu.memory_space<semaphore_mem>>)
      %dma_wait3A_71 = arith.constant 3200 : i32
      %dma_wait3A_72 = tpu.memref_slice %arg5[%dma_wait3A_71] : memref<6400xi32, #tpu.memory_space<vmem>> -> memref<3200xi32, #tpu.memory_space<vmem>>
      %dma_wait3A_73 = tpu.memref_slice %arg2[%add3A_11] : memref<204800xi32, #tpu.memory_space<hbm>> -> memref<3200xi32, #tpu.memory_space<hbm>>
      %dma_wait3A_74 = arith.constant 3200 : i32
      %dma_wait3A_75 = tpu.memref_slice %arg5[%dma_wait3A_74] : memref<6400xi32, #tpu.memory_space<vmem>> -> memref<3200xi32, #tpu.memory_space<vmem>>
      %dma_wait3A_76 = tpu.memref_slice %arg2[%add3A_11] : memref<204800xi32, #tpu.memory_space<hbm>> -> memref<3200xi32, #tpu.memory_space<hbm>>
      tpu.wait_dma2 semaphore(%run_scoped3A : memref<!tpu.dma_semaphore, #tpu.memory_space<semaphore_mem>>) src(%dma_wait3A_76 : memref<3200xi32, #tpu.memory_space<hbm>>) dst(%dma_wait3A_75 : memref<3200xi32, #tpu.memory_space<vmem>>)
      tpu.yield
    }) : () -> ()
    %dma_start3A_12 = arith.constant 3200 : i32
    %dma_start3A_13 = tpu.memref_slice %arg9[%dma_start3A_12] : memref<6400xf32, #tpu.memory_space<vmem>> -> memref<3200xf32, #tpu.memory_space<vmem>>
    %dma_start3A_14 = arith.constant 3200 : i32
    %dma_start3A_15 = tpu.memref_slice %arg5[%dma_start3A_14] : memref<6400xi32, #tpu.memory_space<vmem>> -> memref<3200xi32, #tpu.memory_space<vmem>>
    %dma_start3A_16 = arith.constant 0 : i32
    %dma_start3A_17 = tpu.memref_slice %arg3[%dma_start3A_16] : memref<100000xf32, #tpu.memory_space<hbm>> -> memref<100000xf32, #tpu.memory_space<hbm>>
    tpu.enqueue_indirect_dma source(%dma_start3A_17 : memref<100000xf32, #tpu.memory_space<hbm>>) target(%dma_start3A_13 : memref<3200xf32, #tpu.memory_space<vmem>>) offsets(%dma_start3A_15 : memref<3200xi32, #tpu.memory_space<vmem>>) semaphore(%arg8 : memref<!tpu.dma_semaphore, #tpu.memory_space<semaphore_mem>>)
    %dma_wait3A = arith.constant 0 : i32
    %dma_wait3A_18 = tpu.memref_slice %arg9[%dma_wait3A] : memref<6400xf32, #tpu.memory_space<vmem>> -> memref<3200xf32, #tpu.memory_space<vmem>>
    %dma_wait3A_19 = arith.constant 0 : i32
    %dma_wait3A_20 = tpu.memref_slice %arg5[%dma_wait3A_19] : memref<6400xi32, #tpu.memory_space<vmem>> -> memref<3200xi32, #tpu.memory_space<vmem>>
    %dma_wait3A_21 = arith.constant 0 : i32
    %dma_wait3A_22 = tpu.memref_slice %arg3[%dma_wait3A_21] : memref<100000xf32, #tpu.memory_space<hbm>> -> memref<100000xf32, #tpu.memory_space<hbm>>
    tpu.wait_indirect_dma semaphore(%arg7 : memref<!tpu.dma_semaphore, #tpu.memory_space<semaphore_mem>>) src(%dma_wait3A_22 : memref<100000xf32, #tpu.memory_space<hbm>>) dst(%dma_wait3A_18 : memref<3200xf32, #tpu.memory_space<vmem>>)
    %iota3A = tpu.iota {dimensions = array<i32: 0>} : vector<16xi32>
    %mul3A_23 = arith.constant 50 : i32
    %mul3A_24 = vector.broadcast %mul3A_23 : i32 to vector<16xi32>
    %mul3A_25 = arith.muli %iota3A, %mul3A_24 : vector<16xi32>
    %broadcast_in_dim3A = arith.constant 0.000000e+00 : f32
    %broadcast_in_dim3A_26 = vector.broadcast %broadcast_in_dim3A : f32 to vector<16xf32>
    %scan3A = arith.constant 0 : i32
    %scan3A_27 = arith.constant 50 : i32
    %scan3A_28 = arith.addi %scan3A, %scan3A_27 : i32
    %scan3A_29 = arith.constant 2 : i32
    %scan3A_30:4 = scf.for %scan3A_65 = %scan3A to %scan3A_28 step %scan3A_29 iter_args(%scan3A_66 = %broadcast_in_dim3A_26, %scan3A_67 = %broadcast_in_dim3A_26, %scan3A_68 = %broadcast_in_dim3A_26, %scan3A_69 = %broadcast_in_dim3A_26) -> (vector<16xf32>, vector<16xf32>, vector<16xf32>, vector<16xf32>)  : i32 {
      %add3A_70 = arith.constant 0 : i32
      %add3A_71 = arith.addi %add3A_70, %scan3A_65 : i32
      %add3A_72 = vector.broadcast %add3A_71 : i32 to vector<16xi32>
      %add3A_73 = arith.addi %mul3A_25, %add3A_72 : vector<16xi32>
      %gather3A = tpu.vector_load_idx %arg9[%add3A_73] : memref<6400xf32, #tpu.memory_space<vmem>>[vector<16xi32>], vector<16xf32>,
      %add3A_74 = arith.addf %scan3A_66, %gather3A : vector<16xf32>
      %add3A_75 = arith.constant 800 : i32
      %add3A_76 = arith.addi %add3A_75, %scan3A_65 : i32
      %add3A_77 = vector.broadcast %add3A_76 : i32 to vector<16xi32>
      %add3A_78 = arith.addi %mul3A_25, %add3A_77 : vector<16xi32>
      %gather3A_79 = tpu.vector_load_idx %arg9[%add3A_78] : memref<6400xf32, #tpu.memory_space<vmem>>[vector<16xi32>], vector<16xf32>,
      %add3A_80 = arith.addf %scan3A_67, %gather3A_79 : vector<16xf32>
      %add3A_81 = arith.constant 1600 : i32
      %add3A_82 = arith.addi %add3A_81, %scan3A_65 : i32
      %add3A_83 = vector.broadcast %add3A_82 : i32 to vector<16xi32>
      %add3A_84 = arith.addi %mul3A_25, %add3A_83 : vector<16xi32>
      %gather3A_85 = tpu.vector_load_idx %arg9[%add3A_84] : memref<6400xf32, #tpu.memory_space<vmem>>[vector<16xi32>], vector<16xf32>,
      %add3A_86 = arith.addf %scan3A_68, %gather3A_85 : vector<16xf32>
      %add3A_87 = arith.constant 2400 : i32
      %add3A_88 = arith.addi %add3A_87, %scan3A_65 : i32
      %add3A_89 = vector.broadcast %add3A_88 : i32 to vector<16xi32>
      %add3A_90 = arith.addi %mul3A_25, %add3A_89 : vector<16xi32>
      %gather3A_91 = tpu.vector_load_idx %arg9[%add3A_90] : memref<6400xf32, #tpu.memory_space<vmem>>[vector<16xi32>], vector<16xf32>,
      %add3A_92 = arith.addf %scan3A_69, %gather3A_91 : vector<16xf32>
      %scan3A_93 = arith.constant 1 : i32
      %scan3A_94 = arith.addi %scan3A_65, %scan3A_93 : i32
      %add3A_95 = arith.constant 0 : i32
      %add3A_96 = arith.addi %add3A_95, %scan3A_94 : i32
      %add3A_97 = vector.broadcast %add3A_96 : i32 to vector<16xi32>
      %add3A_98 = arith.addi %mul3A_25, %add3A_97 : vector<16xi32>
      %gather3A_99 = tpu.vector_load_idx %arg9[%add3A_98] : memref<6400xf32, #tpu.memory_space<vmem>>[vector<16xi32>], vector<16xf32>,
      %add3A_100 = arith.addf %add3A_74, %gather3A_99 : vector<16xf32>
      %add3A_101 = arith.constant 800 : i32
      %add3A_102 = arith.addi %add3A_101, %scan3A_94 : i32
      %add3A_103 = vector.broadcast %add3A_102 : i32 to vector<16xi32>
      %add3A_104 = arith.addi %mul3A_25, %add3A_103 : vector<16xi32>
      %gather3A_105 = tpu.vector_load_idx %arg9[%add3A_104] : memref<6400xf32, #tpu.memory_space<vmem>>[vector<16xi32>], vector<16xf32>,
      %add3A_106 = arith.addf %add3A_80, %gather3A_105 : vector<16xf32>
      %add3A_107 = arith.constant 1600 : i32
      %add3A_108 = arith.addi %add3A_107, %scan3A_94 : i32
      %add3A_109 = vector.broadcast %add3A_108 : i32 to vector<16xi32>
      %add3A_110 = arith.addi %mul3A_25, %add3A_109 : vector<16xi32>
      %gather3A_111 = tpu.vector_load_idx %arg9[%add3A_110] : memref<6400xf32, #tpu.memory_space<vmem>>[vector<16xi32>], vector<16xf32>,
      %add3A_112 = arith.addf %add3A_86, %gather3A_111 : vector<16xf32>
      %add3A_113 = arith.constant 2400 : i32
      %add3A_114 = arith.addi %add3A_113, %scan3A_94 : i32
      %add3A_115 = vector.broadcast %add3A_114 : i32 to vector<16xi32>
      %add3A_116 = arith.addi %mul3A_25, %add3A_115 : vector<16xi32>
      %gather3A_117 = tpu.vector_load_idx %arg9[%add3A_116] : memref<6400xf32, #tpu.memory_space<vmem>>[vector<16xi32>], vector<16xf32>,
      %add3A_118 = arith.addf %add3A_92, %gather3A_117 : vector<16xf32>
      scf.yield %add3A_100, %add3A_106, %add3A_112, %add3A_118 : vector<16xf32>, vector<16xf32>, vector<16xf32>, vector<16xf32>
    }
    %scan3A_31 = arith.constant 50 : i32
    %swap3A = arith.constant 0 : index
    %swap3A_32 = tpu.vector_load %arg6[%swap3A] {strides = array<i32>} : memref<128xf32, #tpu.memory_space<vmem>>, vector<16xf32>,
    tpu.vector_store %arg6[%swap3A], %scan3A_30#0 {strides = array<i32>} : memref<128xf32, #tpu.memory_space<vmem>>, vector<16xf32>,
    %swap3A_33 = arith.constant 16 : index
    %swap3A_34 = tpu.vector_load %arg6[%swap3A_33] {strides = array<i32>} : memref<128xf32, #tpu.memory_space<vmem>>, vector<16xf32>,
    tpu.vector_store %arg6[%swap3A_33], %scan3A_30#1 {strides = array<i32>} : memref<128xf32, #tpu.memory_space<vmem>>, vector<16xf32>,
    %swap3A_35 = arith.constant 32 : index
    %swap3A_36 = tpu.vector_load %arg6[%swap3A_35] {strides = array<i32>} : memref<128xf32, #tpu.memory_space<vmem>>, vector<16xf32>,
    tpu.vector_store %arg6[%swap3A_35], %scan3A_30#2 {strides = array<i32>} : memref<128xf32, #tpu.memory_space<vmem>>, vector<16xf32>,
    %swap3A_37 = arith.constant 48 : index
    %swap3A_38 = tpu.vector_load %arg6[%swap3A_37] {strides = array<i32>} : memref<128xf32, #tpu.memory_space<vmem>>, vector<16xf32>,
    tpu.vector_store %arg6[%swap3A_37], %scan3A_30#3 {strides = array<i32>} : memref<128xf32, #tpu.memory_space<vmem>>, vector<16xf32>,
    %dma_wait3A_39 = arith.constant 3200 : i32
    %dma_wait3A_40 = tpu.memref_slice %arg9[%dma_wait3A_39] : memref<6400xf32, #tpu.memory_space<vmem>> -> memref<3200xf32, #tpu.memory_space<vmem>>
    %dma_wait3A_41 = arith.constant 3200 : i32
    %dma_wait3A_42 = tpu.memref_slice %arg5[%dma_wait3A_41] : memref<6400xi32, #tpu.memory_space<vmem>> -> memref<3200xi32, #tpu.memory_space<vmem>>
    %dma_wait3A_43 = arith.constant 0 : i32
    %dma_wait3A_44 = tpu.memref_slice %arg3[%dma_wait3A_43] : memref<100000xf32, #tpu.memory_space<hbm>> -> memref<100000xf32, #tpu.memory_space<hbm>>
    tpu.wait_indirect_dma semaphore(%arg8 : memref<!tpu.dma_semaphore, #tpu.memory_space<semaphore_mem>>) src(%dma_wait3A_44 : memref<100000xf32, #tpu.memory_space<hbm>>) dst(%dma_wait3A_40 : memref<3200xf32, #tpu.memory_space<vmem>>)
    %iota3A_45 = tpu.iota {dimensions = array<i32: 0>} : vector<16xi32>
    %mul3A_46 = arith.constant 50 : i32
    %mul3A_47 = vector.broadcast %mul3A_46 : i32 to vector<16xi32>
    %mul3A_48 = arith.muli %iota3A_45, %mul3A_47 : vector<16xi32>
    %broadcast_in_dim3A_49 = arith.constant 0.000000e+00 : f32
    %broadcast_in_dim3A_50 = vector.broadcast %broadcast_in_dim3A_49 : f32 to vector<16xf32>
    %scan3A_51 = arith.constant 0 : i32
    %scan3A_52 = arith.constant 50 : i32
    %scan3A_53 = arith.addi %scan3A_51, %scan3A_52 : i32
    %scan3A_54 = arith.constant 2 : i32
    %scan3A_55:4 = scf.for %scan3A_65 = %scan3A_51 to %scan3A_53 step %scan3A_54 iter_args(%scan3A_66 = %broadcast_in_dim3A_50, %scan3A_67 = %broadcast_in_dim3A_50, %scan3A_68 = %broadcast_in_dim3A_50, %scan3A_69 = %broadcast_in_dim3A_50) -> (vector<16xf32>, vector<16xf32>, vector<16xf32>, vector<16xf32>)  : i32 {
      %add3A_70 = arith.constant 3200 : i32
      %add3A_71 = arith.addi %add3A_70, %scan3A_65 : i32
      %add3A_72 = vector.broadcast %add3A_71 : i32 to vector<16xi32>
      %add3A_73 = arith.addi %mul3A_48, %add3A_72 : vector<16xi32>
      %gather3A = tpu.vector_load_idx %arg9[%add3A_73] : memref<6400xf32, #tpu.memory_space<vmem>>[vector<16xi32>], vector<16xf32>,
      %add3A_74 = arith.addf %scan3A_66, %gather3A : vector<16xf32>
      %add3A_75 = arith.constant 4000 : i32
      %add3A_76 = arith.addi %add3A_75, %scan3A_65 : i32
      %add3A_77 = vector.broadcast %add3A_76 : i32 to vector<16xi32>
      %add3A_78 = arith.addi %mul3A_48, %add3A_77 : vector<16xi32>
      %gather3A_79 = tpu.vector_load_idx %arg9[%add3A_78] : memref<6400xf32, #tpu.memory_space<vmem>>[vector<16xi32>], vector<16xf32>,
      %add3A_80 = arith.addf %scan3A_67, %gather3A_79 : vector<16xf32>
      %add3A_81 = arith.constant 4800 : i32
      %add3A_82 = arith.addi %add3A_81, %scan3A_65 : i32
      %add3A_83 = vector.broadcast %add3A_82 : i32 to vector<16xi32>
      %add3A_84 = arith.addi %mul3A_48, %add3A_83 : vector<16xi32>
      %gather3A_85 = tpu.vector_load_idx %arg9[%add3A_84] : memref<6400xf32, #tpu.memory_space<vmem>>[vector<16xi32>], vector<16xf32>,
      %add3A_86 = arith.addf %scan3A_68, %gather3A_85 : vector<16xf32>
      %add3A_87 = arith.constant 5600 : i32
      %add3A_88 = arith.addi %add3A_87, %scan3A_65 : i32
      %add3A_89 = vector.broadcast %add3A_88 : i32 to vector<16xi32>
      %add3A_90 = arith.addi %mul3A_48, %add3A_89 : vector<16xi32>
      %gather3A_91 = tpu.vector_load_idx %arg9[%add3A_90] : memref<6400xf32, #tpu.memory_space<vmem>>[vector<16xi32>], vector<16xf32>,
      %add3A_92 = arith.addf %scan3A_69, %gather3A_91 : vector<16xf32>
      %scan3A_93 = arith.constant 1 : i32
      %scan3A_94 = arith.addi %scan3A_65, %scan3A_93 : i32
      %add3A_95 = arith.constant 3200 : i32
      %add3A_96 = arith.addi %add3A_95, %scan3A_94 : i32
      %add3A_97 = vector.broadcast %add3A_96 : i32 to vector<16xi32>
      %add3A_98 = arith.addi %mul3A_48, %add3A_97 : vector<16xi32>
      %gather3A_99 = tpu.vector_load_idx %arg9[%add3A_98] : memref<6400xf32, #tpu.memory_space<vmem>>[vector<16xi32>], vector<16xf32>,
      %add3A_100 = arith.addf %add3A_74, %gather3A_99 : vector<16xf32>
      %add3A_101 = arith.constant 4000 : i32
      %add3A_102 = arith.addi %add3A_101, %scan3A_94 : i32
      %add3A_103 = vector.broadcast %add3A_102 : i32 to vector<16xi32>
      %add3A_104 = arith.addi %mul3A_48, %add3A_103 : vector<16xi32>
      %gather3A_105 = tpu.vector_load_idx %arg9[%add3A_104] : memref<6400xf32, #tpu.memory_space<vmem>>[vector<16xi32>], vector<16xf32>,
      %add3A_106 = arith.addf %add3A_80, %gather3A_105 : vector<16xf32>
      %add3A_107 = arith.constant 4800 : i32
      %add3A_108 = arith.addi %add3A_107, %scan3A_94 : i32
      %add3A_109 = vector.broadcast %add3A_108 : i32 to vector<16xi32>
      %add3A_110 = arith.addi %mul3A_48, %add3A_109 : vector<16xi32>
      %gather3A_111 = tpu.vector_load_idx %arg9[%add3A_110] : memref<6400xf32, #tpu.memory_space<vmem>>[vector<16xi32>], vector<16xf32>,
      %add3A_112 = arith.addf %add3A_86, %gather3A_111 : vector<16xf32>
      %add3A_113 = arith.constant 5600 : i32
      %add3A_114 = arith.addi %add3A_113, %scan3A_94 : i32
      %add3A_115 = vector.broadcast %add3A_114 : i32 to vector<16xi32>
      %add3A_116 = arith.addi %mul3A_48, %add3A_115 : vector<16xi32>
      %gather3A_117 = tpu.vector_load_idx %arg9[%add3A_116] : memref<6400xf32, #tpu.memory_space<vmem>>[vector<16xi32>], vector<16xf32>,
      %add3A_118 = arith.addf %add3A_92, %gather3A_117 : vector<16xf32>
      scf.yield %add3A_100, %add3A_106, %add3A_112, %add3A_118 : vector<16xf32>, vector<16xf32>, vector<16xf32>, vector<16xf32>
    }
    %scan3A_56 = arith.constant 50 : i32
    %swap3A_57 = arith.constant 64 : index
    %swap3A_58 = tpu.vector_load %arg6[%swap3A_57] {strides = array<i32>} : memref<128xf32, #tpu.memory_space<vmem>>, vector<16xf32>,
    tpu.vector_store %arg6[%swap3A_57], %scan3A_55#0 {strides = array<i32>} : memref<128xf32, #tpu.memory_space<vmem>>, vector<16xf32>,
    %swap3A_59 = arith.constant 80 : index
    %swap3A_60 = tpu.vector_load %arg6[%swap3A_59] {strides = array<i32>} : memref<128xf32, #tpu.memory_space<vmem>>, vector<16xf32>,
    tpu.vector_store %arg6[%swap3A_59], %scan3A_55#1 {strides = array<i32>} : memref<128xf32, #tpu.memory_space<vmem>>, vector<16xf32>,
    %swap3A_61 = arith.constant 96 : index
    %swap3A_62 = tpu.vector_load %arg6[%swap3A_61] {strides = array<i32>} : memref<128xf32, #tpu.memory_space<vmem>>, vector<16xf32>,
    tpu.vector_store %arg6[%swap3A_61], %scan3A_55#2 {strides = array<i32>} : memref<128xf32, #tpu.memory_space<vmem>>, vector<16xf32>,
    %swap3A_63 = arith.constant 112 : index
    %swap3A_64 = tpu.vector_load %arg6[%swap3A_63] {strides = array<i32>} : memref<128xf32, #tpu.memory_space<vmem>>, vector<16xf32>,
    tpu.vector_store %arg6[%swap3A_63], %scan3A_55#3 {strides = array<i32>} : memref<128xf32, #tpu.memory_space<vmem>>, vector<16xf32>,
    "tpu.region"() ({
      %run_scoped3A = tpu.sem_alloc : memref<!tpu.dma_semaphore, #tpu.memory_space<semaphore_mem>>
      %dma_start3A_65 = tpu.memref_slice %arg4[%mul3A_4] : memref<4096xf32, #tpu.memory_space<hbm>> -> memref<128xf32, #tpu.memory_space<hbm>>
      %dma_start3A_66 = tpu.memref_slice %arg4[%mul3A_4] : memref<4096xf32, #tpu.memory_space<hbm>> -> memref<128xf32, #tpu.memory_space<hbm>>
      tpu.enqueue_dma source(%arg6 : memref<128xf32, #tpu.memory_space<vmem>>) target(%dma_start3A_66 : memref<128xf32, #tpu.memory_space<hbm>>) target_semaphore(%run_scoped3A : memref<!tpu.dma_semaphore, #tpu.memory_space<semaphore_mem>>)
      %dma_wait3A_67 = tpu.memref_slice %arg4[%mul3A_4] : memref<4096xf32, #tpu.memory_space<hbm>> -> memref<128xf32, #tpu.memory_space<hbm>>
      %dma_wait3A_68 = tpu.memref_slice %arg4[%mul3A_4] : memref<4096xf32, #tpu.memory_space<hbm>> -> memref<128xf32, #tpu.memory_space<hbm>>
      tpu.wait_dma2 semaphore(%run_scoped3A : memref<!tpu.dma_semaphore, #tpu.memory_space<semaphore_mem>>) src(%arg6 : memref<128xf32, #tpu.memory_space<vmem>>) dst(%dma_wait3A_68 : memref<128xf32, #tpu.memory_space<hbm>>)
      tpu.yield
    }) : () -> ()
    return
  }
}

#map = affine_map<(d0, d1) -> (0)>
module attributes {stable_mosaic.version = 14 : i64} {
  func.func @sc_kernel(%arg0: i32, %arg1: i32, %arg2: memref<204800xi32, #tpu.memory_space<hbm>>, %arg3: memref<1000000xf32, #tpu.memory_space<hbm>>, %arg4: memref<4096xf32, #tpu.memory_space<hbm>>, %arg5: memref<6400xi32, #tpu.memory_space<vmem>>, %arg6: memref<128xf32, #tpu.memory_space<vmem>>, %arg7: memref<!tpu.dma_semaphore, #tpu.memory_space<semaphore_mem>>, %arg8: memref<!tpu.dma_semaphore, #tpu.memory_space<semaphore_mem>>, %arg9: memref<6400xf32, #tpu.memory_space<vmem>>) attributes {dimension_semantics = [#tpu.dimension_semantics<core_parallel>, #tpu.dimension_semantics<subcore_parallel>], iteration_bounds = array<i64: 2, 16>, scalar_prefetch = 0 : i64, scratch_operands = 5 : i64, tpu.core_type = #tpu.core_type<sc_vector_subcore>, window_params = [{transform_indices = #map}, {transform_indices = #map}, {transform_indices = #map}]} {
    %mul3A = arith.constant 2 : i32
    %mul3A_0 = arith.muli %arg1, %mul3A : i32
    %add3A = arith.addi %mul3A_0, %arg0 : i32
    %mul3A_1 = arith.constant 6400 : i32
    %mul3A_2 = arith.muli %add3A, %mul3A_1 : i32
    %mul3A_3 = arith.constant 128 : i32
    %mul3A_4 = arith.muli %add3A, %mul3A_3 : i32
    "tpu.region"() ({
      %run_scoped3A = tpu.sem_alloc : memref<!tpu.dma_semaphore, #tpu.memory_space<semaphore_mem>>
      %dma_start3A_65 = arith.constant 0 : i32
      %dma_start3A_66 = tpu.memref_slice %arg5[%dma_start3A_65] : memref<6400xi32, #tpu.memory_space<vmem>> -> memref<3200xi32, #tpu.memory_space<vmem>>
      %dma_start3A_67 = tpu.memref_slice %arg2[%mul3A_2] : memref<204800xi32, #tpu.memory_space<hbm>> -> memref<3200xi32, #tpu.memory_space<hbm>>
      %dma_start3A_68 = arith.constant 0 : i32
      %dma_start3A_69 = tpu.memref_slice %arg5[%dma_start3A_68] : memref<6400xi32, #tpu.memory_space<vmem>> -> memref<3200xi32, #tpu.memory_space<vmem>>
      %dma_start3A_70 = tpu.memref_slice %arg2[%mul3A_2] : memref<204800xi32, #tpu.memory_space<hbm>> -> memref<3200xi32, #tpu.memory_space<hbm>>
      tpu.enqueue_dma source(%dma_start3A_70 : memref<3200xi32, #tpu.memory_space<hbm>>) target(%dma_start3A_69 : memref<3200xi32, #tpu.memory_space<vmem>>) target_semaphore(%run_scoped3A : memref<!tpu.dma_semaphore, #tpu.memory_space<semaphore_mem>>)
      %dma_wait3A_71 = arith.constant 0 : i32
      %dma_wait3A_72 = tpu.memref_slice %arg5[%dma_wait3A_71] : memref<6400xi32, #tpu.memory_space<vmem>> -> memref<3200xi32, #tpu.memory_space<vmem>>
      %dma_wait3A_73 = tpu.memref_slice %arg2[%mul3A_2] : memref<204800xi32, #tpu.memory_space<hbm>> -> memref<3200xi32, #tpu.memory_space<hbm>>
      %dma_wait3A_74 = arith.constant 0 : i32
      %dma_wait3A_75 = tpu.memref_slice %arg5[%dma_wait3A_74] : memref<6400xi32, #tpu.memory_space<vmem>> -> memref<3200xi32, #tpu.memory_space<vmem>>
      %dma_wait3A_76 = tpu.memref_slice %arg2[%mul3A_2] : memref<204800xi32, #tpu.memory_space<hbm>> -> memref<3200xi32, #tpu.memory_space<hbm>>
      tpu.wait_dma2 semaphore(%run_scoped3A : memref<!tpu.dma_semaphore, #tpu.memory_space<semaphore_mem>>) src(%dma_wait3A_76 : memref<3200xi32, #tpu.memory_space<hbm>>) dst(%dma_wait3A_75 : memref<3200xi32, #tpu.memory_space<vmem>>)
      tpu.yield
    }) : () -> ()
    %dma_start3A = arith.constant 0 : i32
    %dma_start3A_5 = tpu.memref_slice %arg9[%dma_start3A] : memref<6400xf32, #tpu.memory_space<vmem>> -> memref<3200xf32, #tpu.memory_space<vmem>>
    %dma_start3A_6 = arith.constant 0 : i32
    %dma_start3A_7 = tpu.memref_slice %arg5[%dma_start3A_6] : memref<6400xi32, #tpu.memory_space<vmem>> -> memref<3200xi32, #tpu.memory_space<vmem>>
    %dma_start3A_8 = arith.constant 0 : i32
    %dma_start3A_9 = tpu.memref_slice %arg3[%dma_start3A_8] : memref<1000000xf32, #tpu.memory_space<hbm>> -> memref<1000000xf32, #tpu.memory_space<hbm>>
    tpu.enqueue_indirect_dma source(%dma_start3A_9 : memref<1000000xf32, #tpu.memory_space<hbm>>) target(%dma_start3A_5 : memref<3200xf32, #tpu.memory_space<vmem>>) offsets(%dma_start3A_7 : memref<3200xi32, #tpu.memory_space<vmem>>) semaphore(%arg7 : memref<!tpu.dma_semaphore, #tpu.memory_space<semaphore_mem>>)
    %add3A_10 = arith.constant 3200 : i32
    %add3A_11 = arith.addi %mul3A_2, %add3A_10 : i32
    "tpu.region"() ({
      %run_scoped3A = tpu.sem_alloc : memref<!tpu.dma_semaphore, #tpu.memory_space<semaphore_mem>>
      %dma_start3A_65 = arith.constant 3200 : i32
      %dma_start3A_66 = tpu.memref_slice %arg5[%dma_start3A_65] : memref<6400xi32, #tpu.memory_space<vmem>> -> memref<3200xi32, #tpu.memory_space<vmem>>
      %dma_start3A_67 = tpu.memref_slice %arg2[%add3A_11] : memref<204800xi32, #tpu.memory_space<hbm>> -> memref<3200xi32, #tpu.memory_space<hbm>>
      %dma_start3A_68 = arith.constant 3200 : i32
      %dma_start3A_69 = tpu.memref_slice %arg5[%dma_start3A_68] : memref<6400xi32, #tpu.memory_space<vmem>> -> memref<3200xi32, #tpu.memory_space<vmem>>
      %dma_start3A_70 = tpu.memref_slice %arg2[%add3A_11] : memref<204800xi32, #tpu.memory_space<hbm>> -> memref<3200xi32, #tpu.memory_space<hbm>>
      tpu.enqueue_dma source(%dma_start3A_70 : memref<3200xi32, #tpu.memory_space<hbm>>) target(%dma_start3A_69 : memref<3200xi32, #tpu.memory_space<vmem>>) target_semaphore(%run_scoped3A : memref<!tpu.dma_semaphore, #tpu.memory_space<semaphore_mem>>)
      %dma_wait3A_71 = arith.constant 3200 : i32
      %dma_wait3A_72 = tpu.memref_slice %arg5[%dma_wait3A_71] : memref<6400xi32, #tpu.memory_space<vmem>> -> memref<3200xi32, #tpu.memory_space<vmem>>
      %dma_wait3A_73 = tpu.memref_slice %arg2[%add3A_11] : memref<204800xi32, #tpu.memory_space<hbm>> -> memref<3200xi32, #tpu.memory_space<hbm>>
      %dma_wait3A_74 = arith.constant 3200 : i32
      %dma_wait3A_75 = tpu.memref_slice %arg5[%dma_wait3A_74] : memref<6400xi32, #tpu.memory_space<vmem>> -> memref<3200xi32, #tpu.memory_space<vmem>>
      %dma_wait3A_76 = tpu.memref_slice %arg2[%add3A_11] : memref<204800xi32, #tpu.memory_space<hbm>> -> memref<3200xi32, #tpu.memory_space<hbm>>
      tpu.wait_dma2 semaphore(%run_scoped3A : memref<!tpu.dma_semaphore, #tpu.memory_space<semaphore_mem>>) src(%dma_wait3A_76 : memref<3200xi32, #tpu.memory_space<hbm>>) dst(%dma_wait3A_75 : memref<3200xi32, #tpu.memory_space<vmem>>)
      tpu.yield
    }) : () -> ()
    %dma_start3A_12 = arith.constant 3200 : i32
    %dma_start3A_13 = tpu.memref_slice %arg9[%dma_start3A_12] : memref<6400xf32, #tpu.memory_space<vmem>> -> memref<3200xf32, #tpu.memory_space<vmem>>
    %dma_start3A_14 = arith.constant 3200 : i32
    %dma_start3A_15 = tpu.memref_slice %arg5[%dma_start3A_14] : memref<6400xi32, #tpu.memory_space<vmem>> -> memref<3200xi32, #tpu.memory_space<vmem>>
    %dma_start3A_16 = arith.constant 0 : i32
    %dma_start3A_17 = tpu.memref_slice %arg3[%dma_start3A_16] : memref<1000000xf32, #tpu.memory_space<hbm>> -> memref<1000000xf32, #tpu.memory_space<hbm>>
    tpu.enqueue_indirect_dma source(%dma_start3A_17 : memref<1000000xf32, #tpu.memory_space<hbm>>) target(%dma_start3A_13 : memref<3200xf32, #tpu.memory_space<vmem>>) offsets(%dma_start3A_15 : memref<3200xi32, #tpu.memory_space<vmem>>) semaphore(%arg8 : memref<!tpu.dma_semaphore, #tpu.memory_space<semaphore_mem>>)
    %dma_wait3A = arith.constant 0 : i32
    %dma_wait3A_18 = tpu.memref_slice %arg9[%dma_wait3A] : memref<6400xf32, #tpu.memory_space<vmem>> -> memref<3200xf32, #tpu.memory_space<vmem>>
    %dma_wait3A_19 = arith.constant 0 : i32
    %dma_wait3A_20 = tpu.memref_slice %arg5[%dma_wait3A_19] : memref<6400xi32, #tpu.memory_space<vmem>> -> memref<3200xi32, #tpu.memory_space<vmem>>
    %dma_wait3A_21 = arith.constant 0 : i32
    %dma_wait3A_22 = tpu.memref_slice %arg3[%dma_wait3A_21] : memref<1000000xf32, #tpu.memory_space<hbm>> -> memref<1000000xf32, #tpu.memory_space<hbm>>
    tpu.wait_indirect_dma semaphore(%arg7 : memref<!tpu.dma_semaphore, #tpu.memory_space<semaphore_mem>>) src(%dma_wait3A_22 : memref<1000000xf32, #tpu.memory_space<hbm>>) dst(%dma_wait3A_18 : memref<3200xf32, #tpu.memory_space<vmem>>)
    %iota3A = tpu.iota {dimensions = array<i32: 0>} : vector<16xi32>
    %mul3A_23 = arith.constant 50 : i32
    %mul3A_24 = vector.broadcast %mul3A_23 : i32 to vector<16xi32>
    %mul3A_25 = arith.muli %iota3A, %mul3A_24 : vector<16xi32>
    %broadcast_in_dim3A = arith.constant 0.000000e+00 : f32
    %broadcast_in_dim3A_26 = vector.broadcast %broadcast_in_dim3A : f32 to vector<16xf32>
    %scan3A = arith.constant 0 : i32
    %scan3A_27 = arith.constant 50 : i32
    %scan3A_28 = arith.addi %scan3A, %scan3A_27 : i32
    %scan3A_29 = arith.constant 2 : i32
    %scan3A_30:4 = scf.for %scan3A_65 = %scan3A to %scan3A_28 step %scan3A_29 iter_args(%scan3A_66 = %broadcast_in_dim3A_26, %scan3A_67 = %broadcast_in_dim3A_26, %scan3A_68 = %broadcast_in_dim3A_26, %scan3A_69 = %broadcast_in_dim3A_26) -> (vector<16xf32>, vector<16xf32>, vector<16xf32>, vector<16xf32>)  : i32 {
      %add3A_70 = arith.constant 0 : i32
      %add3A_71 = arith.addi %add3A_70, %scan3A_65 : i32
      %add3A_72 = vector.broadcast %add3A_71 : i32 to vector<16xi32>
      %add3A_73 = arith.addi %mul3A_25, %add3A_72 : vector<16xi32>
      %gather3A = tpu.vector_load_idx %arg9[%add3A_73] : memref<6400xf32, #tpu.memory_space<vmem>>[vector<16xi32>], vector<16xf32>,
      %add3A_74 = arith.addf %scan3A_66, %gather3A : vector<16xf32>
      %add3A_75 = arith.constant 800 : i32
      %add3A_76 = arith.addi %add3A_75, %scan3A_65 : i32
      %add3A_77 = vector.broadcast %add3A_76 : i32 to vector<16xi32>
      %add3A_78 = arith.addi %mul3A_25, %add3A_77 : vector<16xi32>
      %gather3A_79 = tpu.vector_load_idx %arg9[%add3A_78] : memref<6400xf32, #tpu.memory_space<vmem>>[vector<16xi32>], vector<16xf32>,
      %add3A_80 = arith.addf %scan3A_67, %gather3A_79 : vector<16xf32>
      %add3A_81 = arith.constant 1600 : i32
      %add3A_82 = arith.addi %add3A_81, %scan3A_65 : i32
      %add3A_83 = vector.broadcast %add3A_82 : i32 to vector<16xi32>
      %add3A_84 = arith.addi %mul3A_25, %add3A_83 : vector<16xi32>
      %gather3A_85 = tpu.vector_load_idx %arg9[%add3A_84] : memref<6400xf32, #tpu.memory_space<vmem>>[vector<16xi32>], vector<16xf32>,
      %add3A_86 = arith.addf %scan3A_68, %gather3A_85 : vector<16xf32>
      %add3A_87 = arith.constant 2400 : i32
      %add3A_88 = arith.addi %add3A_87, %scan3A_65 : i32
      %add3A_89 = vector.broadcast %add3A_88 : i32 to vector<16xi32>
      %add3A_90 = arith.addi %mul3A_25, %add3A_89 : vector<16xi32>
      %gather3A_91 = tpu.vector_load_idx %arg9[%add3A_90] : memref<6400xf32, #tpu.memory_space<vmem>>[vector<16xi32>], vector<16xf32>,
      %add3A_92 = arith.addf %scan3A_69, %gather3A_91 : vector<16xf32>
      %scan3A_93 = arith.constant 1 : i32
      %scan3A_94 = arith.addi %scan3A_65, %scan3A_93 : i32
      %add3A_95 = arith.constant 0 : i32
      %add3A_96 = arith.addi %add3A_95, %scan3A_94 : i32
      %add3A_97 = vector.broadcast %add3A_96 : i32 to vector<16xi32>
      %add3A_98 = arith.addi %mul3A_25, %add3A_97 : vector<16xi32>
      %gather3A_99 = tpu.vector_load_idx %arg9[%add3A_98] : memref<6400xf32, #tpu.memory_space<vmem>>[vector<16xi32>], vector<16xf32>,
      %add3A_100 = arith.addf %add3A_74, %gather3A_99 : vector<16xf32>
      %add3A_101 = arith.constant 800 : i32
      %add3A_102 = arith.addi %add3A_101, %scan3A_94 : i32
      %add3A_103 = vector.broadcast %add3A_102 : i32 to vector<16xi32>
      %add3A_104 = arith.addi %mul3A_25, %add3A_103 : vector<16xi32>
      %gather3A_105 = tpu.vector_load_idx %arg9[%add3A_104] : memref<6400xf32, #tpu.memory_space<vmem>>[vector<16xi32>], vector<16xf32>,
      %add3A_106 = arith.addf %add3A_80, %gather3A_105 : vector<16xf32>
      %add3A_107 = arith.constant 1600 : i32
      %add3A_108 = arith.addi %add3A_107, %scan3A_94 : i32
      %add3A_109 = vector.broadcast %add3A_108 : i32 to vector<16xi32>
      %add3A_110 = arith.addi %mul3A_25, %add3A_109 : vector<16xi32>
      %gather3A_111 = tpu.vector_load_idx %arg9[%add3A_110] : memref<6400xf32, #tpu.memory_space<vmem>>[vector<16xi32>], vector<16xf32>,
      %add3A_112 = arith.addf %add3A_86, %gather3A_111 : vector<16xf32>
      %add3A_113 = arith.constant 2400 : i32
      %add3A_114 = arith.addi %add3A_113, %scan3A_94 : i32
      %add3A_115 = vector.broadcast %add3A_114 : i32 to vector<16xi32>
      %add3A_116 = arith.addi %mul3A_25, %add3A_115 : vector<16xi32>
      %gather3A_117 = tpu.vector_load_idx %arg9[%add3A_116] : memref<6400xf32, #tpu.memory_space<vmem>>[vector<16xi32>], vector<16xf32>,
      %add3A_118 = arith.addf %add3A_92, %gather3A_117 : vector<16xf32>
      scf.yield %add3A_100, %add3A_106, %add3A_112, %add3A_118 : vector<16xf32>, vector<16xf32>, vector<16xf32>, vector<16xf32>
    }
    %scan3A_31 = arith.constant 50 : i32
    %swap3A = arith.constant 0 : index
    %swap3A_32 = tpu.vector_load %arg6[%swap3A] {strides = array<i32>} : memref<128xf32, #tpu.memory_space<vmem>>, vector<16xf32>,
    tpu.vector_store %arg6[%swap3A], %scan3A_30#0 {strides = array<i32>} : memref<128xf32, #tpu.memory_space<vmem>>, vector<16xf32>,
    %swap3A_33 = arith.constant 16 : index
    %swap3A_34 = tpu.vector_load %arg6[%swap3A_33] {strides = array<i32>} : memref<128xf32, #tpu.memory_space<vmem>>, vector<16xf32>,
    tpu.vector_store %arg6[%swap3A_33], %scan3A_30#1 {strides = array<i32>} : memref<128xf32, #tpu.memory_space<vmem>>, vector<16xf32>,
    %swap3A_35 = arith.constant 32 : index
    %swap3A_36 = tpu.vector_load %arg6[%swap3A_35] {strides = array<i32>} : memref<128xf32, #tpu.memory_space<vmem>>, vector<16xf32>,
    tpu.vector_store %arg6[%swap3A_35], %scan3A_30#2 {strides = array<i32>} : memref<128xf32, #tpu.memory_space<vmem>>, vector<16xf32>,
    %swap3A_37 = arith.constant 48 : index
    %swap3A_38 = tpu.vector_load %arg6[%swap3A_37] {strides = array<i32>} : memref<128xf32, #tpu.memory_space<vmem>>, vector<16xf32>,
    tpu.vector_store %arg6[%swap3A_37], %scan3A_30#3 {strides = array<i32>} : memref<128xf32, #tpu.memory_space<vmem>>, vector<16xf32>,
    %dma_wait3A_39 = arith.constant 3200 : i32
    %dma_wait3A_40 = tpu.memref_slice %arg9[%dma_wait3A_39] : memref<6400xf32, #tpu.memory_space<vmem>> -> memref<3200xf32, #tpu.memory_space<vmem>>
    %dma_wait3A_41 = arith.constant 3200 : i32
    %dma_wait3A_42 = tpu.memref_slice %arg5[%dma_wait3A_41] : memref<6400xi32, #tpu.memory_space<vmem>> -> memref<3200xi32, #tpu.memory_space<vmem>>
    %dma_wait3A_43 = arith.constant 0 : i32
    %dma_wait3A_44 = tpu.memref_slice %arg3[%dma_wait3A_43] : memref<1000000xf32, #tpu.memory_space<hbm>> -> memref<1000000xf32, #tpu.memory_space<hbm>>
    tpu.wait_indirect_dma semaphore(%arg8 : memref<!tpu.dma_semaphore, #tpu.memory_space<semaphore_mem>>) src(%dma_wait3A_44 : memref<1000000xf32, #tpu.memory_space<hbm>>) dst(%dma_wait3A_40 : memref<3200xf32, #tpu.memory_space<vmem>>)
    %iota3A_45 = tpu.iota {dimensions = array<i32: 0>} : vector<16xi32>
    %mul3A_46 = arith.constant 50 : i32
    %mul3A_47 = vector.broadcast %mul3A_46 : i32 to vector<16xi32>
    %mul3A_48 = arith.muli %iota3A_45, %mul3A_47 : vector<16xi32>
    %broadcast_in_dim3A_49 = arith.constant 0.000000e+00 : f32
    %broadcast_in_dim3A_50 = vector.broadcast %broadcast_in_dim3A_49 : f32 to vector<16xf32>
    %scan3A_51 = arith.constant 0 : i32
    %scan3A_52 = arith.constant 50 : i32
    %scan3A_53 = arith.addi %scan3A_51, %scan3A_52 : i32
    %scan3A_54 = arith.constant 2 : i32
    %scan3A_55:4 = scf.for %scan3A_65 = %scan3A_51 to %scan3A_53 step %scan3A_54 iter_args(%scan3A_66 = %broadcast_in_dim3A_50, %scan3A_67 = %broadcast_in_dim3A_50, %scan3A_68 = %broadcast_in_dim3A_50, %scan3A_69 = %broadcast_in_dim3A_50) -> (vector<16xf32>, vector<16xf32>, vector<16xf32>, vector<16xf32>)  : i32 {
      %add3A_70 = arith.constant 3200 : i32
      %add3A_71 = arith.addi %add3A_70, %scan3A_65 : i32
      %add3A_72 = vector.broadcast %add3A_71 : i32 to vector<16xi32>
      %add3A_73 = arith.addi %mul3A_48, %add3A_72 : vector<16xi32>
      %gather3A = tpu.vector_load_idx %arg9[%add3A_73] : memref<6400xf32, #tpu.memory_space<vmem>>[vector<16xi32>], vector<16xf32>,
      %add3A_74 = arith.addf %scan3A_66, %gather3A : vector<16xf32>
      %add3A_75 = arith.constant 4000 : i32
      %add3A_76 = arith.addi %add3A_75, %scan3A_65 : i32
      %add3A_77 = vector.broadcast %add3A_76 : i32 to vector<16xi32>
      %add3A_78 = arith.addi %mul3A_48, %add3A_77 : vector<16xi32>
      %gather3A_79 = tpu.vector_load_idx %arg9[%add3A_78] : memref<6400xf32, #tpu.memory_space<vmem>>[vector<16xi32>], vector<16xf32>,
      %add3A_80 = arith.addf %scan3A_67, %gather3A_79 : vector<16xf32>
      %add3A_81 = arith.constant 4800 : i32
      %add3A_82 = arith.addi %add3A_81, %scan3A_65 : i32
      %add3A_83 = vector.broadcast %add3A_82 : i32 to vector<16xi32>
      %add3A_84 = arith.addi %mul3A_48, %add3A_83 : vector<16xi32>
      %gather3A_85 = tpu.vector_load_idx %arg9[%add3A_84] : memref<6400xf32, #tpu.memory_space<vmem>>[vector<16xi32>], vector<16xf32>,
      %add3A_86 = arith.addf %scan3A_68, %gather3A_85 : vector<16xf32>
      %add3A_87 = arith.constant 5600 : i32
      %add3A_88 = arith.addi %add3A_87, %scan3A_65 : i32
      %add3A_89 = vector.broadcast %add3A_88 : i32 to vector<16xi32>
      %add3A_90 = arith.addi %mul3A_48, %add3A_89 : vector<16xi32>
      %gather3A_91 = tpu.vector_load_idx %arg9[%add3A_90] : memref<6400xf32, #tpu.memory_space<vmem>>[vector<16xi32>], vector<16xf32>,
      %add3A_92 = arith.addf %scan3A_69, %gather3A_91 : vector<16xf32>
      %scan3A_93 = arith.constant 1 : i32
      %scan3A_94 = arith.addi %scan3A_65, %scan3A_93 : i32
      %add3A_95 = arith.constant 3200 : i32
      %add3A_96 = arith.addi %add3A_95, %scan3A_94 : i32
      %add3A_97 = vector.broadcast %add3A_96 : i32 to vector<16xi32>
      %add3A_98 = arith.addi %mul3A_48, %add3A_97 : vector<16xi32>
      %gather3A_99 = tpu.vector_load_idx %arg9[%add3A_98] : memref<6400xf32, #tpu.memory_space<vmem>>[vector<16xi32>], vector<16xf32>,
      %add3A_100 = arith.addf %add3A_74, %gather3A_99 : vector<16xf32>
      %add3A_101 = arith.constant 4000 : i32
      %add3A_102 = arith.addi %add3A_101, %scan3A_94 : i32
      %add3A_103 = vector.broadcast %add3A_102 : i32 to vector<16xi32>
      %add3A_104 = arith.addi %mul3A_48, %add3A_103 : vector<16xi32>
      %gather3A_105 = tpu.vector_load_idx %arg9[%add3A_104] : memref<6400xf32, #tpu.memory_space<vmem>>[vector<16xi32>], vector<16xf32>,
      %add3A_106 = arith.addf %add3A_80, %gather3A_105 : vector<16xf32>
      %add3A_107 = arith.constant 4800 : i32
      %add3A_108 = arith.addi %add3A_107, %scan3A_94 : i32
      %add3A_109 = vector.broadcast %add3A_108 : i32 to vector<16xi32>
      %add3A_110 = arith.addi %mul3A_48, %add3A_109 : vector<16xi32>
      %gather3A_111 = tpu.vector_load_idx %arg9[%add3A_110] : memref<6400xf32, #tpu.memory_space<vmem>>[vector<16xi32>], vector<16xf32>,
      %add3A_112 = arith.addf %add3A_86, %gather3A_111 : vector<16xf32>
      %add3A_113 = arith.constant 5600 : i32
      %add3A_114 = arith.addi %add3A_113, %scan3A_94 : i32
      %add3A_115 = vector.broadcast %add3A_114 : i32 to vector<16xi32>
      %add3A_116 = arith.addi %mul3A_48, %add3A_115 : vector<16xi32>
      %gather3A_117 = tpu.vector_load_idx %arg9[%add3A_116] : memref<6400xf32, #tpu.memory_space<vmem>>[vector<16xi32>], vector<16xf32>,
      %add3A_118 = arith.addf %add3A_92, %gather3A_117 : vector<16xf32>
      scf.yield %add3A_100, %add3A_106, %add3A_112, %add3A_118 : vector<16xf32>, vector<16xf32>, vector<16xf32>, vector<16xf32>
    }
    %scan3A_56 = arith.constant 50 : i32
    %swap3A_57 = arith.constant 64 : index
    %swap3A_58 = tpu.vector_load %arg6[%swap3A_57] {strides = array<i32>} : memref<128xf32, #tpu.memory_space<vmem>>, vector<16xf32>,
    tpu.vector_store %arg6[%swap3A_57], %scan3A_55#0 {strides = array<i32>} : memref<128xf32, #tpu.memory_space<vmem>>, vector<16xf32>,
    %swap3A_59 = arith.constant 80 : index
    %swap3A_60 = tpu.vector_load %arg6[%swap3A_59] {strides = array<i32>} : memref<128xf32, #tpu.memory_space<vmem>>, vector<16xf32>,
    tpu.vector_store %arg6[%swap3A_59], %scan3A_55#1 {strides = array<i32>} : memref<128xf32, #tpu.memory_space<vmem>>, vector<16xf32>,
    %swap3A_61 = arith.constant 96 : index
    %swap3A_62 = tpu.vector_load %arg6[%swap3A_61] {strides = array<i32>} : memref<128xf32, #tpu.memory_space<vmem>>, vector<16xf32>,
    tpu.vector_store %arg6[%swap3A_61], %scan3A_55#2 {strides = array<i32>} : memref<128xf32, #tpu.memory_space<vmem>>, vector<16xf32>,
    %swap3A_63 = arith.constant 112 : index
    %swap3A_64 = tpu.vector_load %arg6[%swap3A_63] {strides = array<i32>} : memref<128xf32, #tpu.memory_space<vmem>>, vector<16xf32>,
    tpu.vector_store %arg6[%swap3A_63], %scan3A_55#3 {strides = array<i32>} : memref<128xf32, #tpu.memory_space<vmem>>, vector<16xf32>,
    "tpu.region"() ({
      %run_scoped3A = tpu.sem_alloc : memref<!tpu.dma_semaphore, #tpu.memory_space<semaphore_mem>>
      %dma_start3A_65 = tpu.memref_slice %arg4[%mul3A_4] : memref<4096xf32, #tpu.memory_space<hbm>> -> memref<128xf32, #tpu.memory_space<hbm>>
      %dma_start3A_66 = tpu.memref_slice %arg4[%mul3A_4] : memref<4096xf32, #tpu.memory_space<hbm>> -> memref<128xf32, #tpu.memory_space<hbm>>
      tpu.enqueue_dma source(%arg6 : memref<128xf32, #tpu.memory_space<vmem>>) target(%dma_start3A_66 : memref<128xf32, #tpu.memory_space<hbm>>) target_semaphore(%run_scoped3A : memref<!tpu.dma_semaphore, #tpu.memory_space<semaphore_mem>>)
      %dma_wait3A_67 = tpu.memref_slice %arg4[%mul3A_4] : memref<4096xf32, #tpu.memory_space<hbm>> -> memref<128xf32, #tpu.memory_space<hbm>>
      %dma_wait3A_68 = tpu.memref_slice %arg4[%mul3A_4] : memref<4096xf32, #tpu.memory_space<hbm>> -> memref<128xf32, #tpu.memory_space<hbm>>
      tpu.wait_dma2 semaphore(%run_scoped3A : memref<!tpu.dma_semaphore, #tpu.memory_space<semaphore_mem>>) src(%arg6 : memref<128xf32, #tpu.memory_space<vmem>>) dst(%dma_wait3A_68 : memref<128xf32, #tpu.memory_space<hbm>>)
      tpu.yield
    }) : () -> ()
    return
  }
}

</mosaic_0001>

<sc_bundles>
// kernel: kernel.4.cloned.1.call-start
scs
__scs_entry_jumppad:
0x0: {  	(pc) =	sbr.rel $0x88, $3  }
0x1: {  	(tag) =	ssettag $0x0;
	lr =	simm.s32 $0x1  }
0x2: {  	[smem:$0x3F9D] =	sst lr;
	_ =	strace $0xD0000000  }
0x3: {  	_ = 	snop  }
0x4: {  	_ = 	snop  }
0x5: {  	_ = 	snop  }
0x6: {  	_ = 	snop  }
0x7: {  	_ = 	snop  }
__scs_overlays_trampoline_lowered:
0x8: {  	[smem:$0x3FAC] =	sst s0  }
0x9: {  	[smem:$0x3FAD] =	sst s1  }
0xa: {  	[smem:$0x3FAE] =	sst s2  }
0xb: {  	[smem:$0x3FAF] =	sst s3  }
0xc: {  	[smem:$0x3FB0] =	sst s4  }
0xd: {  	[smem:$0x3FB1] =	sst s5  }
0xe: {  	[smem:$0x3FB2] =	sst s6  }
0xf: {  	[smem:$0x3FB3] =	sst s7  }
0x10: {  	[smem:$0x3FB4] =	sst s8  }
0x11: {  	[smem:$0x3FB5] =	sst s9;
	s0 =	simm.s32 @!p0 $0x0  }
0x12: {  	s1 =	sld [smem:$0x3F9B];
	s0 =	simm.s32 @p0 $0x1  }
0x13: {  	[smem:$0x3FB6] =	sst s0;
	s0 =	simm.s32 @!p1 $0x0  }
0x14: {  	s2 =	sld [smem:$0x3F9A];
	s0 =	simm.s32 @p1 $0x1  }
0x15: {  	[smem:$0x3FB7] =	sst s0;
	s0 =	simm.s32 @!p2 $0x0  }
0x16: {  	s3 =	sld [smem:$0x3FDB];
	s0 =	simm.s32 @p2 $0x1  }
0x17: {  	s4 =	simm.s32 $0x1BF5;
	[smem:$0x3FB9] =	sst s0  }
0x18: {  	s0 =	sld [smem:$0x3F9C];
	_ =	swait.ge [sflag:s4], $0x0  }
0x19: {  	s7 =	sld [smem:$0x3F9D]  }
0x1a: {  	s8 =	sadd.s32 $0xFFFFE003, lr  }
0x1b: {  	s9 =	sadd.s32 $0xFFFFFEF7, lr;
	s5 =	simm.s32 $0xFFFFFFFF;
	p2 =	slt.u32 s8, $0xFFFFF086  }
0x1c: {  	p1 =	slt.u32 s9, $0xF7A;
	s5 =	simm.s32 @!p2 $0x0  }
0x1d: {  	s5 =	simm.s32 @p1 $0x1;
	p0 =	seq.s32 s7, s2  }
0x1e: {  	s7 =	smul.u32 @!p0 $0xF7A, s2;
	p2 =	seq.s32 @!p0 s5, $0x0  }
0x1f: {  	s9 =	smul.u32 $0xF7A, s1;
	s8 =	simm.s32 @!p0 $0x1BF5;
	p2 =	por !p2, p0  }
0x20: {  	[sflag:s8] =	ssyncset.s32 @!p0 $0xFFFFF086;
	s6 =	sadd.s32 @!p0 s3, s7;
	s7 =	simm.s32 @!p0 $0x108  }
0x21: {  	s3 =	sadd.s32 s3, s9;
	s6 =	sadd.s32 @!p0 $0x88, s6;
	s7 =	simm.s32 @p2 $0x1082  }
0x22: {  	[simem:s7], [sflag:s8] =	dma.local @!p0 [hbm:s6], $0xF7A  }
0x23: {  	s9 =	sor.u32 $0xD0000000, s2;
	s6 =	simm.s32 $0x108;
	_ =	swait.ge @!p0 [sflag:s8], $0x0  }
0x24: {  	s3 =	sadd.s32 $0x88, s3;
	s6 =	simm.s32 @!p1 $0x1082;
	[sflag:s4] =	ssyncset.s32 $0xFFFFF086  }
0x25: {  	[simem:s6], [sflag:s4] =	dma.local [hbm:s3], $0xF7A  }
0x26: {  	[smem:$0x3F9D] =	sst s1;
	(tag) =	ssettag s2;
	_ =	strace s9  }
0x27: {  	s1 =	sld [smem:$0x3FAD]  }
0x28: {  	s2 =	sld [smem:$0x3FAE]  }
0x29: {  	s4 =	sld [smem:$0x3FB0]  }
0x2a: {  	p0 =	seq.s32 s5, $0x0;
	s5 =	sld [smem:$0x3FB1]  }
0x2b: {  	s6 =	sld [smem:$0x3FB2]  }
0x2c: {  	s7 =	sld [smem:$0x3FB3]  }
0x2d: {  	s3 =	simm.s32 $0x108;
	s8 =	sld [smem:$0x3FB4]  }
0x2e: {  	s3 =	simm.s32 @!p0 $0x1082;
	s9 =	sld [smem:$0x3FB5]  }
0x2f: {  	lr =	sadd.s32 s0, s3;
	s0 =	sld [smem:$0x3FAC]  }
0x30: {  	s3 =	sld [smem:$0x3FAF]  }
0x31: {  	[smem:$0x3FB8] =	sst s10  }
0x32: {  	s10 =	sld [smem:$0x3FB6];
	_ =	sdelay $0x3  }
0x33: {  	p0 =	seq.s32 s10, $0x1;
	s10 =	sld [smem:$0x3FB8];
	_ =	sdelay $0x3  }
0x34: {  	[smem:$0x3FB8] =	sst s10  }
0x35: {  	s10 =	sld [smem:$0x3FB7];
	_ =	sdelay $0x3  }
0x36: {  	p1 =	seq.s32 s10, $0x1;
	s10 =	sld [smem:$0x3FB8];
	_ =	sdelay $0x3  }
0x37: {  	[smem:$0x3FB8] =	sst s10  }
0x38: {  	s10 =	sld [smem:$0x3FB9]  }
0x39: {  	_ = 	snop;
	(pc) =	sbr.ind lr, $3  }
0x3a: {  	_ = 	snop  }
0x3b: {  	_ = 	snop  }
0x3c: {  	p2 =	seq.s32 s10, $0x1;
	s10 =	sld [smem:$0x3FB8]  }
0x3d: {  	_ =	shalt  }
0x3e: {  	_ =	shalt  }
0x3f: {  	_ =	shalt  }
0x40: {  	_ =	shalt  }
0x41: {  	_ =	shalt  }
0x42: {  	_ =	shalt  }
0x43: {  	_ =	shalt  }
0x44: {  	_ =	shalt  }
0x45: {  	_ =	shalt  }
0x46: {  	_ =	shalt  }
0x47: {  	_ =	shalt  }
0x48: {  	_ =	shalt  }
0x49: {  	_ =	shalt  }
0x4a: {  	_ =	shalt  }
0x4b: {  	_ =	shalt  }
0x4c: {  	_ =	shalt  }
0x4d: {  	_ =	shalt  }
0x4e: {  	_ =	shalt  }
0x4f: {  	_ =	shalt  }
0x50: {  	_ =	shalt  }
0x51: {  	_ =	shalt  }
0x52: {  	_ =	shalt  }
0x53: {  	_ =	shalt  }
0x54: {  	_ =	shalt  }
0x55: {  	_ =	shalt  }
0x56: {  	_ =	shalt  }
0x57: {  	_ =	shalt  }
0x58: {  	_ =	shalt  }
0x59: {  	_ =	shalt  }
0x5a: {  	_ =	shalt  }
0x5b: {  	_ =	shalt  }
0x5c: {  	_ =	shalt  }
0x5d: {  	_ =	shalt  }
0x5e: {  	_ =	shalt  }
0x5f: {  	_ =	shalt  }
0x60: {  	_ =	shalt  }
0x61: {  	_ =	shalt  }
0x62: {  	_ =	shalt  }
0x63: {  	_ =	shalt  }
0x64: {  	_ =	shalt  }
0x65: {  	_ =	shalt  }
0x66: {  	_ =	shalt  }
0x67: {  	_ =	shalt  }
0x68: {  	_ =	shalt  }
0x69: {  	_ =	shalt  }
0x6a: {  	_ =	shalt  }
0x6b: {  	_ =	shalt  }
0x6c: {  	_ =	shalt  }
0x6d: {  	_ =	shalt  }
0x6e: {  	_ =	shalt  }
0x6f: {  	_ =	shalt  }
0x70: {  	_ =	shalt  }
0x71: {  	_ =	shalt  }
0x72: {  	_ =	shalt  }
0x73: {  	_ =	shalt  }
0x74: {  	_ =	shalt  }
0x75: {  	_ =	shalt  }
0x76: {  	_ =	shalt  }
0x77: {  	_ =	shalt  }
0x78: {  	_ =	shalt  }
0x79: {  	_ =	shalt  }
0x7a: {  	_ =	shalt  }
0x7b: {  	_ =	shalt  }
0x7c: {  	_ =	shalt  }
0x7d: {  	_ =	shalt  }
0x7e: {  	_ =	shalt  }
0x7f: {  	_ =	shalt  }
0x80: {  	_ =	shalt  }
0x81: {  	_ =	shalt  }
0x82: {  	_ =	shalt  }
0x83: {  	_ =	shalt  }
0x84: {  	_ =	shalt  }
0x85: {  	_ =	shalt  }
0x86: {  	_ =	shalt  }
0x87: {  	_ =	shalt  }
.Lfunc_end0:
.L_simem_size_0:
called_computation_lowered:
.L_overlay_start_0:
0x88: {  	s2 =	sld [smem:$0x3FD9]  }
0x89: {  	s3 =	sld [smem:$0x3FFE];
	_ =	sdelay $0x1  }
0x8a: {  	s1 =	srdreg.scid  }
0x8b: {  	s0 =	sand.u32 $0x1, s1  }
0x8c: {  	s14 =	sshll.u32 s0, $0xA;
	s2 =	sadd.s32 s3, s2  }
0x8d: {  	s2 =	sadd.s32 s2, s14  }
0x8e: {  	[smem:$0x3FC4] =	sst s2  }
0x8f: {  	_ = 	snop  }
0x90: {  	s2 =	sld [smem:$0x3FD0];
	_ =	sdelay $0x2  }
0x91: {  	s15 =	simm.s32 $0xA;
	s4 =	simm.s32 $0x10  }
0x92: {  	[smem:s4], [sflag:s15] =	dma.local [hbm:s2], $0x1  }
0x93: {  	_ =	swait.eq [sflag:s15], $0x1  }
0x94: {  	[sflag:s15] =	ssyncset.done $0x0  }
0x95: {  	[sflag:s15] =	ssyncadd.s32 $0xFFFFFFFF  }
0x96: {  	s16 =	sld [smem:$0x11];
	(tm) =	ssettm $0x1  }
0x97: {  	s17 =	sld [smem:$0x3FFB];
	_ =	sdelay $0x3  }
0x98: {  	_ =	strace s17  }
0x99: {  	s3 =	sld [smem:$0x3FFC];
	_ =	sdelay $0x3  }
0x9a: {  	_ =	strace s3  }
0x9b: {  	s3 =	sld [smem:$0x3FFD];
	_ =	sdelay $0x3  }
0x9c: {  	_ =	strace s3  }
0x9d: {  	_ =	strace $0x8FFFFFFF  }
0x9e: {  	s18 =	sld [smem:$0x3FDB];
	_ =	sdelay $0x1  }
0x9f: {  	s19 =	simm.s32 $_scs_section_size  }
0xa0: {  	s5 =	simm.s32 $_size__tile_overlayer_lowered;
	s6 =	simm.s32 $_tile_overlayer_lowered  }
0xa1: {  	s22 =	simm.s32 $0x1BFF;
	s21 =	sshll.u32 s6, $0x1;
	s3 =	sadd.s32 s19, s18  }
0xa2: {  	s7 =	simm.s32 $0x0;
	s20 =	sshll.u32 s5, $0x1;
	s5 =	sadd.s32 s21, s3  }
0xa3: {  	[timem:s7], [sflag:s22] =	dma.local [hbm:s5], s20  }
0xa4: {  	_ =	swait.ge [sflag:s22], s20  }
0xa5: {  	s4 =	ssub.s32 $0x0, s20;
	[sflag:s22] =	ssyncset.done $0x0  }
0xa6: {  	[sflag:s22] =	ssyncadd.s32 s4;
	_ =	sdelay $0x1  }
0xa7: {  	s23 =	simm.s32 $0x1B8B  }
0xa8: {  	_ =	swait.ge [sflag:s23], $0x1  }
0xa9: {  	[sflag:s23] =	ssyncset.done $0x0  }
0xaa: {  	s25 =	simm.s32 $0x1B8E;
	s24 =	sld [smem:$0x3FFE];
	[sflag:s23] =	ssyncadd.s32 $0xFFFFFFFF  }
0xab: {  	s26 =	simm.s32 $execute0_lowered;
	[smem:$0x3FD2] =	sst s25  }
0xac: {  	s5 =	sshll.u32 s26, $0x1;
	_ =	strace $0x80000046;
	[dreg:$0x1] =	wrdreg $0xFFFFFFFF  }
0xad: {  	s28 =	simm.s32 $_size_execute0_lowered;
	s3 =	sadd.s32 s3, s5;
	[dreg:$0x0] =	wrdreg $0x0  }
0xae: {  	s5 =	sshll.u32 s28, $0x1;
	[dreg:$0x2] =	wrdreg s3  }
0xaf: {  	[dreg:$0x3] =	wrdreg s5  }
0xb0: {  	[dreg:$0x4] =	wrdreg $0xC0  }
0xb1: {  	_ =	task [dreg:s7], $0x5FFFF  }
0xb2: {  	[dreg:$0x1] =	wrdreg $0xFFFFFFFF  }
0xb3: {  	[dreg:$0x0] =	wrdreg $0x60  }
0xb4: {  	[dreg:$0x2] =	wrdreg s24  }
0xb5: {  	[dreg:$0x3] =	wrdreg s16  }
0xb6: {  	[dreg:$0x4] =	wrdreg $0x9  }
0xb7: {  	_ =	task.clear_ibuf [dreg:s7], $0x5FFFF;
	_ =	strace $0x90000046  }
0xb8: {  	s29 =	simm.s32 $0x9;
	_ =	strace $0x80000048  }
0xb9: {  	_ =	swait.ge [sflag:s29], $0x1  }
0xba: {  	[sflag:s29] =	ssyncadd.s32 $0xFFFFFFFF  }
0xbb: {  	_ =	strace $0x90000048  }
0xbc: {  	_ =	sfence  }
0xbd: {  	s30 =	sld [smem:$0x0];
	_ =	sdelay $0x2  }
0xbe: {  	s31 =	sshll.u32 s1, $0xD;
	s1 =	sshrl.u32 s1, $0x2  }
0xbf: {  	s3 =	sand.u32 $0x4000, s31;
	s1 =	sadd.s32 s1, s30  }
0xc0: {  	s0 =	sor.u32 s3, s0;
	s1 =	sshll.u32 s1, $0x11  }
0xc1: {  	s0 =	sor.u32 s1, s0  }
0xc2: {  	s0 =	sadd.s32 $0x8F2B, s0  }
0xc3: {  	[sflag:s0] =	ssyncadd.remote.s32 $0x1  }
0xc4: {  	_ =	sfence.sel $0xFFFF  }
0xc5: {  	[dreg:$0x0] =	wrdreg $0xFFFFFFFF;
	(pc) =	sbr.abs _section_cstart, $3  }
0xc6: {  	[dreg:$0x1] =	wrdreg $0xFFFFFFFF  }
0xc7: {  	_ =	task.clear_ibuf [dreg:s7], $0x2FFFF;
	_ =	strace $0x9FFFFFFF  }
0xc8: {  	(tm) =	ssettm $0x7FFFFFFF  }
0xc9: {  	_ =	shalt  }
tec
execute0_lowered:
.L_overlay_start_1:
0x0: {  	(tag) =	ssettag $0x1  }
0x1: {  	s1 =	srdreg.scid  }
0x2: {  	s0 =	stileid.u32;
	s2 =	rddreg [dreg:$0x0]  }
0x3: {  	s6 =	rddreg [dreg:$0x1];
	s3 =	simm.s32 $0x0;
	s10 =	simm.s32 $0x1980  }
0x4: {  	s11 =	simm.s32 $0x2600;
	s4 =	sand.u32 $0x1, s1;
	s31 =	sshll.u32 s0, $0x1  }
0x5: {  	s12 =	simm.s32 $0x1;
	s13 =	simm.s32 $0x2;
	s5 =	sor.u32 s4, s31  }
0x6: {  	s14 =	simm.s32 $0x1900;
	s1 =	rddreg [dreg:$0x2];
	s7 =	smul.u32 $0x1900, s5  }
0x7: {  	s15 =	simm.s32 $0x0;
	[smem:$0x7FF] =	sst s3;
	s4 =	ssub.s32 $0x2, s4  }
0x8: {  	_ =	strace $0x80000047;
	s8 =	sshrl.u32 s4, $0x1;
	s7 =	sshrl.u32 s7, $0x3  }
0x9: {  	v0 =	vlaneseq.u32;
	s9 =	sshll.u32 s5, $0x4;
	s8 =	ssub.s32 s4, s8;
	s7 =	sadd.s32 s7, s2  }
0xa: {  	v0 =	vmul.u32 $0x32, v0;
	s6 =	sadd.s32 s6, s9;
	s9 =	simm.s32 $0xC80;
	s4 =	sadd.s32 $0x3200, s7  }
0xb: {  	s5 =	sadd.s32 $0x3390, s7;
	s7 =	smax.u32 s8, $0x1;
	s8 =	simm.s32 $0x3  }
.LBB2_1:
0xc: {  	[tilespmem:s3], [sflag:$0x3] =	stream.linear.gather [hbm4b:s4+s3], $0xC80, $0x38;
	[tilespmem:$0x3280] =	vst v63  }
0xd: {  	_ =	swait.ge [sflag:s8], $0xC80  }
0xe: {  	[sflag:s8] =	ssyncset.done $0x0  }
0xf: {  	[sflag:s8] =	ssyncadd.s32 $0xFFFFF380  }
0x10: {  	[tilespmem:s10], [sflag:$0x1] =	stream.indirect.gather [hbm4b:s2+s9], $0x1, s3, s9, $0xb8;
	[tilespmem:$0x3280] =	vst v63  }
0x11: {  	_ = 	snop  }
0x12: {  	[tilespmem:s9], [sflag:$0x3] =	stream.linear.gather [hbm4b:s5+s3], $0xC80, $0x38;
	[tilespmem:$0x3280] =	vst v63  }
0x13: {  	_ =	swait.ge [sflag:s8], $0xC80  }
0x14: {  	[sflag:s8] =	ssyncset.done $0x0  }
0x15: {  	v1 =	vadd.s32 s3, v0;
	s16 =	simm.s32 $0x1;
	s23 =	simm.s32 $0x961;
	[sflag:s8] =	ssyncadd.s32 $0xFFFFF380  }
0x16: {  	v2 =	vadd.s32 s16, v0;
	[tilespmem:s11], [sflag:$0x2] =	stream.indirect.gather [hbm4b:s2+s9], $0x1, s9, s9, $0xb8;
	[tilespmem:$0x3280] =	vst v63  }
0x17: {  	s17 =	simm.s32 $0x960;
	v4 =	vadd.s32 s23, v0;
	_ =	swait.ge [sflag:s12], $0xC80  }
0x18: {  	s24 =	simm.s32 $0x320;
	v5 =	vadd.s32 s17, v0;
	[sflag:s12] =	ssyncset.done $0x0  }
0x19: {  	s25 =	simm.s32 $0x640;
	v6 =	vadd.s32 s24, v0;
	[sflag:s12] =	ssyncadd.s32 $0xFFFFF380  }
0x1a: {  	s26 =	simm.s32 $0x321;
	v9 =	vadd.s32 s25, v0;
	v7 =	vld.idx.msk [tilespmem:v1+s10+$0x0], $0xffff  }
0x1b: {  	s28 =	simm.s32 $0x641;
	v10 =	vadd.s32 s26, v0;
	v3 =	vld.idx.msk [tilespmem:v2+s10+$0x0], $0xffff  }
0x1c: {  	v12 =	vadd.s32 s28, v0;
	s16 =	simm.s32 $0x2;
	v1 =	vld.idx.msk [tilespmem:v4+s10+$0x0], $0xffff  }
0x1d: {  	s29 =	simm.s32 $0x3;
	v17 =	vadd.s32 s16, v0;
	v2 =	vld.idx.msk [tilespmem:v5+s10+$0x0], $0xffff  }
0x1e: {  	s18 =	simm.s32 $0x963;
	v11 =	vadd.s32 s29, v0;
	v4 =	vld.idx.msk [tilespmem:v6+s10+$0x0], $0xffff  }
0x1f: {  	s30 =	simm.s32 $0x962;
	v5 =	vadd.s32 s18, v0;
	v9 =	vld.idx.msk [tilespmem:v9+s10+$0x0], $0xffff  }
0x20: {  	v8 =	vimm.f32 $0.0e+00;
	s31 =	simm.s32 $0x322;
	v13 =	vimm.f32 $0.0e+00;
	v14 =	vadd.s32 s30, v0;
	v6 =	vld.idx.msk [tilespmem:v10+s10+$0x0], $0xffff  }
0x21: {  	v15 =	vimm.f32 $0.0e+00;
	v16 =	vadd.s32 s31, v0;
	s17 =	simm.s32 $0x4;
	s18 =	simm.s32 $0x642;
	v10 =	vld.idx.msk [tilespmem:v12+s10+$0x0], $0xffff;
	v12 =	vimm.f32 $0.0e+00  }
.LBB2_2:
0x22: {  	p0 =	slt.u32 s17, $0x30;
	v18 =	vld.idx.msk [tilespmem:v17+s10+$0x0], $0xffff;
	v19 =	vadd.s32 s18, v0;
	s18 =	sadd.s32 $0x321, s16;
	v20 =	vmov v1  }
0x23: {  	v21 =	vld.idx.msk [tilespmem:v11+s10+$0x0], $0xffff;
	v22 =	vadd.s32 s18, v0;
	s18 =	sadd.s32 $0x641, s16;
	s16 =	smov.u32 s17  }
0x24: {  	v23 =	vadd.s32 s18, v0;
	v1 =	vld.idx.msk [tilespmem:v5+s10+$0x0], $0xffff;
	v5 =	vadd.f32 v7, v8;
	v7 =	vadd.f32 v4, v13  }
.Ltmp0:
0x25: {  	v17 =	vadd.s32 s17, v0;
	v12 =	vadd.f32 v2, v12;
	s18 =	sadd.s32 $0x1, s17;
	v15 =	vadd.f32 v9, v15;
	v2 =	vld.idx.msk [tilespmem:v14+s10+$0x0], $0xffff;
	(pc) =	sbr.rel @p0 .LBB2_2-.Ltmp0, $4  }
0x26: {  	v11 =	vadd.s32 s18, v0;
	s18 =	sadd.s32 $0x961, s17;
	v4 =	vld.idx.msk [tilespmem:v16+s10+$0x0], $0xffff;
	v8 =	vadd.f32 v3, v5;
	v13 =	vadd.f32 v6, v7  }
0x27: {  	s19 =	sadd.s32 $0x960, s17;
	v12 =	vadd.f32 v20, v12;
	v5 =	vadd.s32 s18, v0;
	v15 =	vadd.f32 v10, v15;
	v9 =	vld.idx.msk [tilespmem:v19+s10+$0x0], $0xffff  }
0x28: {  	v14 =	vadd.s32 s19, v0;
	s18 =	sadd.s32 $0x320, s17;
	v6 =	vld.idx.msk [tilespmem:v22+s10+$0x0], $0xffff;
	v7 =	vmov v18  }
0x29: {  	s17 =	sadd.s32 $0x2, s17;
	v16 =	vadd.s32 s18, v0;
	s18 =	sadd.s32 $0x640, s16;
	v3 =	vmov v21;
	v10 =	vld.idx.msk [tilespmem:v23+s10+$0x0], $0xffff  }
0x2a: {  	_ =	sdelay $0x3  }
0x2b: {  	v18 =	vadd.s32 s18, v0;
	s17 =	sadd.s32 $0x321, s16;
	v17 =	vld.idx.msk [tilespmem:v17+s10+$0x0], $0xffff  }
0x2c: {  	s29 =	sadd.s32 $0x641, s16;
	v11 =	vld.idx.msk [tilespmem:v11+s10+$0x0], $0xffff;
	v19 =	vadd.s32 s17, v0  }
0x2d: {  	v14 =	vld.idx.msk [tilespmem:v14+s10+$0x0], $0xffff;
	v20 =	vadd.s32 s29, v0  }
0x2e: {  	v7 =	vadd.f32 v7, v8;
	v8 =	vld.idx.msk [tilespmem:v16+s10+$0x0], $0xffff  }
0x2f: {  	v2 =	vadd.f32 v2, v12;
	v5 =	vld.idx.msk [tilespmem:v5+s10+$0x0], $0xffff  }
0x30: {  	v4 =	vadd.f32 v4, v13;
	v3 =	vadd.f32 v3, v7;
	v13 =	vld.idx.msk [tilespmem:v18+s10+$0x0], $0xffff  }
0x31: {  	v9 =	vadd.f32 v9, v15;
	v1 =	vadd.f32 v1, v2;
	v7 =	vld.idx.msk [tilespmem:v19+s10+$0x0], $0xffff  }
0x32: {  	v4 =	vadd.f32 v6, v4;
	v3 =	vadd.f32 v17, v3;
	v6 =	vld.idx.msk [tilespmem:v20+s10+$0x0], $0xffff  }
0x33: {  	v9 =	vadd.f32 v10, v9;
	v1 =	vadd.f32 v14, v1  }
0x34: {  	v2 =	vadd.f32 v8, v4;
	v3 =	vadd.f32 v11, v3  }
0x35: {  	v1 =	vadd.f32 v5, v1;
	v4 =	vadd.f32 v13, v9  }
0x36: {  	[tilespmem:$0x1900] =	vst v3;
	v2 =	vadd.f32 v7, v2  }
0x37: {  	s30 =	simm.s32 $0x15E1;
	[tilespmem:$0x1930] =	vst v1;
	v4 =	vadd.f32 v6, v4  }
0x38: {  	s31 =	simm.s32 $0x15E0;
	[tilespmem:$0x1910] =	vst v2;
	v2 =	vadd.s32 s30, v0  }
0x39: {  	s19 =	simm.s32 $0xFA0;
	v3 =	vadd.s32 s31, v0;
	[tilespmem:$0x1920] =	vst v4  }
0x3a: {  	s18 =	simm.s32 $0x12C0;
	v6 =	vadd.s32 s19, v0;
	_ =	swait.ge [sflag:s13], $0xC80  }
0x3b: {  	s20 =	simm.s32 $0xC80;
	v4 =	vadd.s32 s18, v0;
	[sflag:s13] =	ssyncset.done $0x0  }
0x3c: {  	s21 =	simm.s32 $0xFA1;
	v7 =	vadd.s32 s20, v0;
	[sflag:s13] =	ssyncadd.s32 $0xFFFFF380  }
0x3d: {  	s22 =	simm.s32 $0xC81;
	v8 =	vadd.s32 s21, v0;
	v1 =	vld.idx.msk [tilespmem:v2+s10+$0x0], $0xffff  }
0x3e: {  	s25 =	simm.s32 $0x15E2;
	v10 =	vadd.s32 s22, v0;
	v5 =	vld.idx.msk [tilespmem:v3+s10+$0x0], $0xffff  }
0x3f: {  	s23 =	simm.s32 $0x12C1;
	v3 =	vld.idx.msk [tilespmem:v6+s10+$0x0], $0xffff;
	v6 =	vadd.s32 s25, v0  }
0x40: {  	s24 =	simm.s32 $0x15E3;
	v11 =	vld.idx.msk [tilespmem:v4+s10+$0x0], $0xffff;
	v4 =	vadd.s32 s23, v0  }
0x41: {  	s26 =	simm.s32 $0x12C2;
	v14 =	vadd.s32 s24, v0;
	v9 =	vld.idx.msk [tilespmem:v7+s10+$0x0], $0xffff  }
0x42: {  	v15 =	vadd.s32 s26, v0;
	v2 =	vld.idx.msk [tilespmem:v8+s10+$0x0], $0xffff  }
0x43: {  	s28 =	simm.s32 $0xFA2;
	v7 =	vld.idx.msk [tilespmem:v10+s10+$0x0], $0xffff  }
0x44: {  	v16 =	vimm.f32 $0.0e+00;
	s29 =	simm.s32 $0xC82;
	s31 =	simm.s32 $0xC83;
	v13 =	vadd.s32 s28, v0;
	v6 =	vld.idx.msk [tilespmem:v6+s10+$0x0], $0xffff  }
0x45: {  	v17 =	vadd.s32 s29, v0;
	v19 =	vimm.f32 $0.0e+00;
	v18 =	vadd.s32 s31, v0;
	s30 =	simm.s32 $0xFA3;
	v8 =	vld.idx.msk [tilespmem:v4+s10+$0x0], $0xffff  }
0x46: {  	s16 =	simm.s32 $0x2;
	s17 =	simm.s32 $0x12C3;
	v12 =	vadd.s32 s30, v0;
	v10 =	vimm.f32 $0.0e+00;
	v4 =	vld.idx.msk [tilespmem:v14+s10+$0x0], $0xffff;
	v14 =	vimm.f32 $0.0e+00  }
.LBB2_4:
0x47: {  	s18 =	sadd.s32 $0x15E3, s16;
	v20 =	vld.idx.msk [tilespmem:v15+s10+$0x0], $0xffff;
	v21 =	vadd.s32 s17, v0;
	v10 =	vadd.f32 v9, v10;
	v15 =	vadd.f32 v3, v19  }
0x48: {  	s17 =	smov.u32 s16;
	s19 =	sadd.s32 $0x15E2, s16;
	v11 =	vadd.f32 v11, v16;
	v5 =	vadd.f32 v5, v14;
	v22 =	vadd.s32 s18, v0;
	s18 =	sadd.s32 $0x12C2, s16  }
0x49: {  	v3 =	vld.idx.msk [tilespmem:v13+s10+$0x0], $0xffff;
	v23 =	vadd.s32 s19, v0;
	s19 =	sadd.s32 $0xFA2, s16;
	v19 =	vadd.f32 v2, v15;
	v15 =	vadd.s32 s18, v0;
	s18 =	sadd.s32 $0xC82, s16;
	s16 =	sadd.s32 $0x2, s16  }
0x4a: {  	v9 =	vld.idx.msk [tilespmem:v17+s10+$0x0], $0xffff;
	v10 =	vadd.f32 v7, v10;
	p0 =	slt.u32 s16, $0x30  }
.Ltmp1:
0x4b: {  	v16 =	vadd.f32 v8, v11;
	v14 =	vadd.f32 v1, v5;
	v2 =	vld.idx.msk [tilespmem:v12+s10+$0x0], $0xffff;
	(pc) =	sbr.rel @p0 .LBB2_4-.Ltmp1, $4  }
0x4c: {  	v13 =	vadd.s32 s19, v0;
	v1 =	vmov v4;
	v7 =	vld.idx.msk [tilespmem:v18+s10+$0x0], $0xffff  }
0x4d: {  	v17 =	vadd.s32 s18, v0;
	s18 =	sadd.s32 $0xFA3, s17;
	v5 =	vmov v6;
	v8 =	vld.idx.msk [tilespmem:v21+s10+$0x0], $0xffff  }
0x4e: {  	s19 =	sadd.s32 $0xC83, s17;
	v12 =	vadd.s32 s18, v0;
	v11 =	vmov v20;
	v4 =	vld.idx.msk [tilespmem:v22+s10+$0x0], $0xffff  }
0x4f: {  	s17 =	sadd.s32 $0x12C3, s17;
	v18 =	vadd.s32 s19, v0;
	v6 =	vld.idx.msk [tilespmem:v23+s10+$0x0], $0xffff  }
0x50: {  	_ =	sdelay $0x3  }
0x51: {  	v15 =	vld.idx.msk [tilespmem:v15+s10+$0x0], $0xffff;
	v20 =	vadd.s32 s17, v0  }
0x52: {  	v17 =	vld.idx.msk [tilespmem:v17+s10+$0x0], $0xffff;
	v5 =	vadd.f32 v5, v14  }
0x53: {  	v9 =	vadd.f32 v9, v10;
	v60 =	vld.idx.msk [tilespmem:v13+s10+$0x0], $0xffff  }
0x54: {  	v3 =	vadd.f32 v3, v19;
	v61 =	vld.idx.msk [tilespmem:v18+s10+$0x0], $0xffff;
	v1 =	vadd.f32 v1, v5  }
0x55: {  	v11 =	vadd.f32 v11, v16;
	v62 =	vld.idx.msk [tilespmem:v12+s10+$0x0], $0xffff;
	v7 =	vadd.f32 v7, v9  }
0x56: {  	v2 =	vadd.f32 v2, v3;
	v1 =	vadd.f32 v6, v1;
	v3 =	vld.idx.msk [tilespmem:v20+s10+$0x0], $0xffff  }
0x57: {  	v8 =	vadd.f32 v8, v11;
	v7 =	vadd.f32 v17, v7  }
0x58: {  	v2 =	vadd.f32 v60, v2;
	v1 =	vadd.f32 v4, v1  }
0x59: {  	v63 =	vadd.f32 v15, v8;
	v7 =	vadd.f32 v61, v7  }
0x5a: {  	v2 =	vadd.f32 v62, v2;
	[tilespmem:$0x1970] =	vst v1  }
0x5b: {  	s15 =	sadd.s32 $0x1, s15;
	[tilespmem:$0x1940] =	vst v7;
	v3 =	vadd.f32 v3, v63  }
0x5c: {  	p0 =	sne.s32 s15, s7;
	[tilespmem:$0x1950] =	vst v2  }
.Ltmp2:
0x5d: {  	[tilespmem:$0x1960] =	vst v3;
	(pc) =	sbr.rel @p0 .LBB2_1-.Ltmp2, $4  }
0x5e: {  	[hbm4b:s6+s3] =	stream.linear.scatter [tilespmem:s14], [sflag:$0x3], $0x80, $0x38;
	[tilespmem:$0x3280] =	vst v63  }
0x5f: {  	_ =	swait.ge [sflag:s8], $0x80  }
0x60: {  	[sflag:s8] =	ssyncset.done $0x0  }
0x61: {  	[sflag:s8] =	ssyncadd.s32 $0xFFFFFF80  }
0x62: {  	_ =	sfence.sel $0x180000  }
0x63: {  	[bflag:$0x0] =	sbarrier.arrive $0xFFFF  }
0x64: {  	p0 =	sne.s32 s0, $0x0;
	_ =	strace $0x90000047  }
0x65: {  	s0 =	sadd.s32 @!p0 $0x100000, s1;
	[bflag:$0x2] =	sbarrier.arrive $0xFFFF  }
0x66: {  	[sflag:s0] =	ssyncadd.tile.s32 @!p0 $0x1;
	_ =	shalt  }
.Lfunc_end2:
_tile_overlayer_lowered:
.L_overlay_start_2:
0x67: {  	(tag) =	ssettag $0x2  }
0x68: {  	s0 =	rddreg [dreg:$0x0];
	s2 =	stileid.u32  }
0x69: {  	s1 =	rddreg [dreg:$0x1];
	p0 =	sne.s32 s2, $0x0  }
0x6a: {  	s3 =	rddreg [dreg:$0x2];
	[bflag:$0x3] =	sbarrier.arrive $0xFFFF;
	s2 =	simm.s32 @!p0 $0x1C03  }
0x6b: {  	[timem:s3], [sflag:s2] =	dma.local @!p0 [hbm:s0], s1  }
0x6c: {  	s0 =	simm.s32 @!p0 $0x3  }
0x6d: {  	_ =	swait.ge @!p0 [sflag:s0], s1  }
0x6e: {  	s1 =	ssub.s32 @!p0 $0x0, s1;
	[sflag:s0] =	ssyncset.done @!p0 $0x0  }
0x6f: {  	[sflag:s0] =	ssyncadd.s32 @!p0 s1  }
0x70: {  	[bflag:$0x3] =	sbarrier.arrive $0xFFFF  }
0x71: {  	_ =	shalt  }

// kernel: kernel.7.cloned.1.call-start
scs
__scs_entry_jumppad:
0x0: {  	(pc) =	sbr.rel $0x88, $3  }
0x1: {  	(tag) =	ssettag $0x0;
	lr =	simm.s32 $0x1  }
0x2: {  	[smem:$0x3F9D] =	sst lr;
	_ =	strace $0xD0000000  }
0x3: {  	_ = 	snop  }
0x4: {  	_ = 	snop  }
0x5: {  	_ = 	snop  }
0x6: {  	_ = 	snop  }
0x7: {  	_ = 	snop  }
__scs_overlays_trampoline_lowered:
0x8: {  	[smem:$0x3FAC] =	sst s0  }
0x9: {  	[smem:$0x3FAD] =	sst s1  }
0xa: {  	[smem:$0x3FAE] =	sst s2  }
0xb: {  	[smem:$0x3FAF] =	sst s3  }
0xc: {  	[smem:$0x3FB0] =	sst s4  }
0xd: {  	[smem:$0x3FB1] =	sst s5  }
0xe: {  	[smem:$0x3FB2] =	sst s6  }
0xf: {  	[smem:$0x3FB3] =	sst s7  }
0x10: {  	[smem:$0x3FB4] =	sst s8  }
0x11: {  	[smem:$0x3FB5] =	sst s9;
	s0 =	simm.s32 @!p0 $0x0  }
0x12: {  	s1 =	sld [smem:$0x3F9B];
	s0 =	simm.s32 @p0 $0x1  }
0x13: {  	[smem:$0x3FB6] =	sst s0;
	s0 =	simm.s32 @!p1 $0x0  }
0x14: {  	s2 =	sld [smem:$0x3F9A];
	s0 =	simm.s32 @p1 $0x1  }
0x15: {  	[smem:$0x3FB7] =	sst s0;
	s0 =	simm.s32 @!p2 $0x0  }
0x16: {  	s3 =	sld [smem:$0x3FDB];
	s0 =	simm.s32 @p2 $0x1  }
0x17: {  	s4 =	simm.s32 $0x1BF5;
	[smem:$0x3FB9] =	sst s0  }
0x18: {  	s0 =	sld [smem:$0x3F9C];
	_ =	swait.ge [sflag:s4], $0x0  }
0x19: {  	s7 =	sld [smem:$0x3F9D]  }
0x1a: {  	s8 =	sadd.s32 $0xFFFFE003, lr  }
0x1b: {  	s9 =	sadd.s32 $0xFFFFFEF7, lr;
	s5 =	simm.s32 $0xFFFFFFFF;
	p2 =	slt.u32 s8, $0xFFFFF086  }
0x1c: {  	p1 =	slt.u32 s9, $0xF7A;
	s5 =	simm.s32 @!p2 $0x0  }
0x1d: {  	s5 =	simm.s32 @p1 $0x1;
	p0 =	seq.s32 s7, s2  }
0x1e: {  	s7 =	smul.u32 @!p0 $0xF7A, s2;
	p2 =	seq.s32 @!p0 s5, $0x0  }
0x1f: {  	s9 =	smul.u32 $0xF7A, s1;
	s8 =	simm.s32 @!p0 $0x1BF5;
	p2 =	por !p2, p0  }
0x20: {  	[sflag:s8] =	ssyncset.s32 @!p0 $0xFFFFF086;
	s6 =	sadd.s32 @!p0 s3, s7;
	s7 =	simm.s32 @!p0 $0x108  }
0x21: {  	s3 =	sadd.s32 s3, s9;
	s6 =	sadd.s32 @!p0 $0x88, s6;
	s7 =	simm.s32 @p2 $0x1082  }
0x22: {  	[simem:s7], [sflag:s8] =	dma.local @!p0 [hbm:s6], $0xF7A  }
0x23: {  	s9 =	sor.u32 $0xD0000000, s2;
	s6 =	simm.s32 $0x108;
	_ =	swait.ge @!p0 [sflag:s8], $0x0  }
0x24: {  	s3 =	sadd.s32 $0x88, s3;
	s6 =	simm.s32 @!p1 $0x1082;
	[sflag:s4] =	ssyncset.s32 $0xFFFFF086  }
0x25: {  	[simem:s6], [sflag:s4] =	dma.local [hbm:s3], $0xF7A  }
0x26: {  	[smem:$0x3F9D] =	sst s1;
	(tag) =	ssettag s2;
	_ =	strace s9  }
0x27: {  	s1 =	sld [smem:$0x3FAD]  }
0x28: {  	s2 =	sld [smem:$0x3FAE]  }
0x29: {  	s4 =	sld [smem:$0x3FB0]  }
0x2a: {  	p0 =	seq.s32 s5, $0x0;
	s5 =	sld [smem:$0x3FB1]  }
0x2b: {  	s6 =	sld [smem:$0x3FB2]  }
0x2c: {  	s7 =	sld [smem:$0x3FB3]  }
0x2d: {  	s3 =	simm.s32 $0x108;
	s8 =	sld [smem:$0x3FB4]  }
0x2e: {  	s3 =	simm.s32 @!p0 $0x1082;
	s9 =	sld [smem:$0x3FB5]  }
0x2f: {  	lr =	sadd.s32 s0, s3;
	s0 =	sld [smem:$0x3FAC]  }
0x30: {  	s3 =	sld [smem:$0x3FAF]  }
0x31: {  	[smem:$0x3FB8] =	sst s10  }
0x32: {  	s10 =	sld [smem:$0x3FB6];
	_ =	sdelay $0x3  }
0x33: {  	p0 =	seq.s32 s10, $0x1;
	s10 =	sld [smem:$0x3FB8];
	_ =	sdelay $0x3  }
0x34: {  	[smem:$0x3FB8] =	sst s10  }
0x35: {  	s10 =	sld [smem:$0x3FB7];
	_ =	sdelay $0x3  }
0x36: {  	p1 =	seq.s32 s10, $0x1;
	s10 =	sld [smem:$0x3FB8];
	_ =	sdelay $0x3  }
0x37: {  	[smem:$0x3FB8] =	sst s10  }
0x38: {  	s10 =	sld [smem:$0x3FB9]  }
0x39: {  	_ = 	snop;
	(pc) =	sbr.ind lr, $3  }
0x3a: {  	_ = 	snop  }
0x3b: {  	_ = 	snop  }
0x3c: {  	p2 =	seq.s32 s10, $0x1;
	s10 =	sld [smem:$0x3FB8]  }
0x3d: {  	_ =	shalt  }
0x3e: {  	_ =	shalt  }
0x3f: {  	_ =	shalt  }
0x40: {  	_ =	shalt  }
0x41: {  	_ =	shalt  }
0x42: {  	_ =	shalt  }
0x43: {  	_ =	shalt  }
0x44: {  	_ =	shalt  }
0x45: {  	_ =	shalt  }
0x46: {  	_ =	shalt  }
0x47: {  	_ =	shalt  }
0x48: {  	_ =	shalt  }
0x49: {  	_ =	shalt  }
0x4a: {  	_ =	shalt  }
0x4b: {  	_ =	shalt  }
0x4c: {  	_ =	shalt  }
0x4d: {  	_ =	shalt  }
0x4e: {  	_ =	shalt  }
0x4f: {  	_ =	shalt  }
0x50: {  	_ =	shalt  }
0x51: {  	_ =	shalt  }
0x52: {  	_ =	shalt  }
0x53: {  	_ =	shalt  }
0x54: {  	_ =	shalt  }
0x55: {  	_ =	shalt  }
0x56: {  	_ =	shalt  }
0x57: {  	_ =	shalt  }
0x58: {  	_ =	shalt  }
0x59: {  	_ =	shalt  }
0x5a: {  	_ =	shalt  }
0x5b: {  	_ =	shalt  }
0x5c: {  	_ =	shalt  }
0x5d: {  	_ =	shalt  }
0x5e: {  	_ =	shalt  }
0x5f: {  	_ =	shalt  }
0x60: {  	_ =	shalt  }
0x61: {  	_ =	shalt  }
0x62: {  	_ =	shalt  }
0x63: {  	_ =	shalt  }
0x64: {  	_ =	shalt  }
0x65: {  	_ =	shalt  }
0x66: {  	_ =	shalt  }
0x67: {  	_ =	shalt  }
0x68: {  	_ =	shalt  }
0x69: {  	_ =	shalt  }
0x6a: {  	_ =	shalt  }
0x6b: {  	_ =	shalt  }
0x6c: {  	_ =	shalt  }
0x6d: {  	_ =	shalt  }
0x6e: {  	_ =	shalt  }
0x6f: {  	_ =	shalt  }
0x70: {  	_ =	shalt  }
0x71: {  	_ =	shalt  }
0x72: {  	_ =	shalt  }
0x73: {  	_ =	shalt  }
0x74: {  	_ =	shalt  }
0x75: {  	_ =	shalt  }
0x76: {  	_ =	shalt  }
0x77: {  	_ =	shalt  }
0x78: {  	_ =	shalt  }
0x79: {  	_ =	shalt  }
0x7a: {  	_ =	shalt  }
0x7b: {  	_ =	shalt  }
0x7c: {  	_ =	shalt  }
0x7d: {  	_ =	shalt  }
0x7e: {  	_ =	shalt  }
0x7f: {  	_ =	shalt  }
0x80: {  	_ =	shalt  }
0x81: {  	_ =	shalt  }
0x82: {  	_ =	shalt  }
0x83: {  	_ =	shalt  }
0x84: {  	_ =	shalt  }
0x85: {  	_ =	shalt  }
0x86: {  	_ =	shalt  }
0x87: {  	_ =	shalt  }
.Lfunc_end0:
.L_simem_size_0:
called_computation.1_lowered:
.L_overlay_start_0:
0x88: {  	s2 =	sld [smem:$0x3FD9]  }
0x89: {  	s3 =	sld [smem:$0x3FFE];
	_ =	sdelay $0x1  }
0x8a: {  	s1 =	srdreg.scid  }
0x8b: {  	s0 =	sand.u32 $0x1, s1  }
0x8c: {  	s14 =	sshll.u32 s0, $0xA;
	s2 =	sadd.s32 s3, s2  }
0x8d: {  	s2 =	sadd.s32 s2, s14  }
0x8e: {  	[smem:$0x3FC4] =	sst s2  }
0x8f: {  	_ = 	snop  }
0x90: {  	s2 =	sld [smem:$0x3FD0];
	_ =	sdelay $0x2  }
0x91: {  	s15 =	simm.s32 $0xA;
	s4 =	simm.s32 $0x10  }
0x92: {  	[smem:s4], [sflag:s15] =	dma.local [hbm:s2], $0x1  }
0x93: {  	_ =	swait.eq [sflag:s15], $0x1  }
0x94: {  	[sflag:s15] =	ssyncset.done $0x0  }
0x95: {  	[sflag:s15] =	ssyncadd.s32 $0xFFFFFFFF  }
0x96: {  	s16 =	sld [smem:$0x10];
	(tm) =	ssettm $0x1  }
0x97: {  	s17 =	sld [smem:$0x3FFB];
	_ =	sdelay $0x3  }
0x98: {  	_ =	strace s17  }
0x99: {  	s3 =	sld [smem:$0x3FFC];
	_ =	sdelay $0x3  }
0x9a: {  	_ =	strace s3  }
0x9b: {  	s3 =	sld [smem:$0x3FFD];
	_ =	sdelay $0x3  }
0x9c: {  	_ =	strace s3  }
0x9d: {  	_ =	strace $0x8FFFFFFF  }
0x9e: {  	s18 =	sld [smem:$0x3FDB];
	_ =	sdelay $0x1  }
0x9f: {  	s19 =	simm.s32 $_scs_section_size  }
0xa0: {  	s5 =	simm.s32 $_size__tile_overlayer_lowered;
	s6 =	simm.s32 $_tile_overlayer_lowered  }
0xa1: {  	s22 =	simm.s32 $0x1BFF;
	s21 =	sshll.u32 s6, $0x1;
	s3 =	sadd.s32 s19, s18  }
0xa2: {  	s7 =	simm.s32 $0x0;
	s20 =	sshll.u32 s5, $0x1;
	s5 =	sadd.s32 s21, s3  }
0xa3: {  	[timem:s7], [sflag:s22] =	dma.local [hbm:s5], s20  }
0xa4: {  	_ =	swait.ge [sflag:s22], s20  }
0xa5: {  	s4 =	ssub.s32 $0x0, s20;
	[sflag:s22] =	ssyncset.done $0x0  }
0xa6: {  	[sflag:s22] =	ssyncadd.s32 s4;
	_ =	sdelay $0x1  }
0xa7: {  	s23 =	simm.s32 $0x1B8B  }
0xa8: {  	_ =	swait.ge [sflag:s23], $0x1  }
0xa9: {  	[sflag:s23] =	ssyncset.done $0x0  }
0xaa: {  	s25 =	simm.s32 $0x1B8E;
	s24 =	sld [smem:$0x3FFE];
	[sflag:s23] =	ssyncadd.s32 $0xFFFFFFFF  }
0xab: {  	s26 =	simm.s32 $execute0_lowered;
	[smem:$0x3FD2] =	sst s25  }
0xac: {  	s5 =	sshll.u32 s26, $0x1;
	_ =	strace $0x80000049;
	[dreg:$0x1] =	wrdreg $0xFFFFFFFF  }
0xad: {  	s28 =	simm.s32 $_size_execute0_lowered;
	s3 =	sadd.s32 s3, s5;
	[dreg:$0x0] =	wrdreg $0x0  }
0xae: {  	s5 =	sshll.u32 s28, $0x1;
	[dreg:$0x2] =	wrdreg s3  }
0xaf: {  	[dreg:$0x3] =	wrdreg s5  }
0xb0: {  	[dreg:$0x4] =	wrdreg $0xC0  }
0xb1: {  	_ =	task [dreg:s7], $0x5FFFF  }
0xb2: {  	[dreg:$0x1] =	wrdreg $0xFFFFFFFF  }
0xb3: {  	[dreg:$0x0] =	wrdreg $0x60  }
0xb4: {  	[dreg:$0x2] =	wrdreg s24  }
0xb5: {  	[dreg:$0x3] =	wrdreg s16  }
0xb6: {  	[dreg:$0x4] =	wrdreg $0x9  }
0xb7: {  	_ =	task.clear_ibuf [dreg:s7], $0x5FFFF;
	_ =	strace $0x90000049  }
0xb8: {  	s29 =	simm.s32 $0x9;
	_ =	strace $0x8000004B  }
0xb9: {  	_ =	swait.ge [sflag:s29], $0x1  }
0xba: {  	[sflag:s29] =	ssyncadd.s32 $0xFFFFFFFF  }
0xbb: {  	_ =	strace $0x9000004B  }
0xbc: {  	_ =	sfence  }
0xbd: {  	s30 =	sld [smem:$0x0];
	_ =	sdelay $0x2  }
0xbe: {  	s31 =	sshll.u32 s1, $0xD;
	s1 =	sshrl.u32 s1, $0x2  }
0xbf: {  	s3 =	sand.u32 $0x4000, s31;
	s1 =	sadd.s32 s1, s30  }
0xc0: {  	s0 =	sor.u32 s3, s0;
	s1 =	sshll.u32 s1, $0x11  }
0xc1: {  	s0 =	sor.u32 s1, s0  }
0xc2: {  	s0 =	sadd.s32 $0x8F2B, s0  }
0xc3: {  	[sflag:s0] =	ssyncadd.remote.s32 $0x1  }
0xc4: {  	_ =	sfence.sel $0xFFFF  }
0xc5: {  	[dreg:$0x0] =	wrdreg $0xFFFFFFFF;
	(pc) =	sbr.abs _section_cstart, $3  }
0xc6: {  	[dreg:$0x1] =	wrdreg $0xFFFFFFFF  }
0xc7: {  	_ =	task.clear_ibuf [dreg:s7], $0x2FFFF;
	_ =	strace $0x9FFFFFFF  }
0xc8: {  	(tm) =	ssettm $0x7FFFFFFF  }
0xc9: {  	_ =	shalt  }
tec
execute0_lowered:
.L_overlay_start_1:
0x0: {  	(tag) =	ssettag $0x1  }
0x1: {  	s4 =	rddreg [dreg:$0x0]  }
0x2: {  	s1 =	srdreg.scid;
	s0 =	stileid.u32  }
0x3: {  	s6 =	rddreg [dreg:$0x1];
	s2 =	simm.s32 $0x0;
	s10 =	simm.s32 $0x1980  }
0x4: {  	s11 =	simm.s32 $0x2600;
	s12 =	simm.s32 $0x1;
	s13 =	simm.s32 $0x2  }
0x5: {  	s14 =	simm.s32 $0x1900;
	s5 =	sand.u32 $0x1, s1;
	s3 =	sshll.u32 s0, $0x1  }
0x6: {  	s15 =	simm.s32 $0x0;
	s1 =	rddreg [dreg:$0x2];
	s7 =	sor.u32 s5, s3  }
0x7: {  	[smem:$0x7FF] =	sst s2;
	s5 =	ssub.s32 $0x2, s5;
	s8 =	smul.u32 $0x1900, s7  }
0x8: {  	_ =	strace $0x8000004A;
	s3 =	sadd.s32 $0x9600, s4;
	s9 =	sshrl.u32 s5, $0x1  }
0x9: {  	v0 =	vlaneseq.u32;
	s7 =	sshll.u32 s7, $0x4;
	s31 =	ssub.s32 s5, s9;
	s8 =	sshrl.u32 s8, $0x3  }
0xa: {  	v0 =	vmul.u32 $0x32, v0;
	s6 =	sadd.s32 s6, s7;
	s9 =	simm.s32 $0xC80;
	s4 =	sadd.s32 s4, s8  }
0xb: {  	s7 =	smax.u32 s31, $0x1;
	s8 =	simm.s32 $0x3;
	s5 =	sadd.s32 $0x190, s4  }
.LBB2_1:
0xc: {  	[tilespmem:s2], [sflag:$0x3] =	stream.linear.gather [hbm4b:s4+s2], $0xC80, $0x38;
	[tilespmem:$0x3280] =	vst v63  }
0xd: {  	_ =	swait.ge [sflag:s8], $0xC80  }
0xe: {  	[sflag:s8] =	ssyncset.done $0x0  }
0xf: {  	[sflag:s8] =	ssyncadd.s32 $0xFFFFF380  }
0x10: {  	[tilespmem:s10], [sflag:$0x1] =	stream.indirect.gather [hbm4b:s3+s9], $0x1, s2, s9, $0xb8;
	[tilespmem:$0x3280] =	vst v63  }
0x11: {  	_ = 	snop  }
0x12: {  	[tilespmem:s9], [sflag:$0x3] =	stream.linear.gather [hbm4b:s5+s2], $0xC80, $0x38;
	[tilespmem:$0x3280] =	vst v63  }
0x13: {  	_ =	swait.ge [sflag:s8], $0xC80  }
0x14: {  	[sflag:s8] =	ssyncset.done $0x0  }
0x15: {  	v1 =	vadd.s32 s2, v0;
	s16 =	simm.s32 $0x1;
	s23 =	simm.s32 $0x961;
	[sflag:s8] =	ssyncadd.s32 $0xFFFFF380  }
0x16: {  	v2 =	vadd.s32 s16, v0;
	[tilespmem:s11], [sflag:$0x2] =	stream.indirect.gather [hbm4b:s3+s9], $0x1, s9, s9, $0xb8;
	[tilespmem:$0x3280] =	vst v63  }
0x17: {  	s17 =	simm.s32 $0x960;
	v4 =	vadd.s32 s23, v0;
	_ =	swait.ge [sflag:s12], $0xC80  }
0x18: {  	s24 =	simm.s32 $0x320;
	v5 =	vadd.s32 s17, v0;
	[sflag:s12] =	ssyncset.done $0x0  }
0x19: {  	s25 =	simm.s32 $0x640;
	v6 =	vadd.s32 s24, v0;
	[sflag:s12] =	ssyncadd.s32 $0xFFFFF380  }
0x1a: {  	s26 =	simm.s32 $0x321;
	v9 =	vadd.s32 s25, v0;
	v7 =	vld.idx.msk [tilespmem:v1+s10+$0x0], $0xffff  }
0x1b: {  	s28 =	simm.s32 $0x641;
	v10 =	vadd.s32 s26, v0;
	v3 =	vld.idx.msk [tilespmem:v2+s10+$0x0], $0xffff  }
0x1c: {  	v12 =	vadd.s32 s28, v0;
	s16 =	simm.s32 $0x2;
	v1 =	vld.idx.msk [tilespmem:v4+s10+$0x0], $0xffff  }
0x1d: {  	s29 =	simm.s32 $0x3;
	v17 =	vadd.s32 s16, v0;
	v2 =	vld.idx.msk [tilespmem:v5+s10+$0x0], $0xffff  }
0x1e: {  	s18 =	simm.s32 $0x963;
	v11 =	vadd.s32 s29, v0;
	v4 =	vld.idx.msk [tilespmem:v6+s10+$0x0], $0xffff  }
0x1f: {  	s30 =	simm.s32 $0x962;
	v5 =	vadd.s32 s18, v0;
	v9 =	vld.idx.msk [tilespmem:v9+s10+$0x0], $0xffff  }
0x20: {  	v8 =	vimm.f32 $0.0e+00;
	s31 =	simm.s32 $0x322;
	v13 =	vimm.f32 $0.0e+00;
	v14 =	vadd.s32 s30, v0;
	v6 =	vld.idx.msk [tilespmem:v10+s10+$0x0], $0xffff  }
0x21: {  	v15 =	vimm.f32 $0.0e+00;
	v16 =	vadd.s32 s31, v0;
	s17 =	simm.s32 $0x4;
	s18 =	simm.s32 $0x642;
	v10 =	vld.idx.msk [tilespmem:v12+s10+$0x0], $0xffff;
	v12 =	vimm.f32 $0.0e+00  }
.LBB2_2:
0x22: {  	p0 =	slt.u32 s17, $0x30;
	v18 =	vld.idx.msk [tilespmem:v17+s10+$0x0], $0xffff;
	v19 =	vadd.s32 s18, v0;
	s18 =	sadd.s32 $0x321, s16;
	v20 =	vmov v1  }
0x23: {  	v21 =	vld.idx.msk [tilespmem:v11+s10+$0x0], $0xffff;
	v22 =	vadd.s32 s18, v0;
	s18 =	sadd.s32 $0x641, s16;
	s16 =	smov.u32 s17  }
0x24: {  	v23 =	vadd.s32 s18, v0;
	v1 =	vld.idx.msk [tilespmem:v5+s10+$0x0], $0xffff;
	v5 =	vadd.f32 v7, v8;
	v7 =	vadd.f32 v4, v13  }
.Ltmp0:
0x25: {  	v17 =	vadd.s32 s17, v0;
	v12 =	vadd.f32 v2, v12;
	s18 =	sadd.s32 $0x1, s17;
	v15 =	vadd.f32 v9, v15;
	v2 =	vld.idx.msk [tilespmem:v14+s10+$0x0], $0xffff;
	(pc) =	sbr.rel @p0 .LBB2_2-.Ltmp0, $4  }
0x26: {  	v11 =	vadd.s32 s18, v0;
	s18 =	sadd.s32 $0x961, s17;
	v4 =	vld.idx.msk [tilespmem:v16+s10+$0x0], $0xffff;
	v8 =	vadd.f32 v3, v5;
	v13 =	vadd.f32 v6, v7  }
0x27: {  	s19 =	sadd.s32 $0x960, s17;
	v12 =	vadd.f32 v20, v12;
	v5 =	vadd.s32 s18, v0;
	v15 =	vadd.f32 v10, v15;
	v9 =	vld.idx.msk [tilespmem:v19+s10+$0x0], $0xffff  }
0x28: {  	v14 =	vadd.s32 s19, v0;
	s18 =	sadd.s32 $0x320, s17;
	v6 =	vld.idx.msk [tilespmem:v22+s10+$0x0], $0xffff;
	v7 =	vmov v18  }
0x29: {  	s17 =	sadd.s32 $0x2, s17;
	v16 =	vadd.s32 s18, v0;
	s18 =	sadd.s32 $0x640, s16;
	v3 =	vmov v21;
	v10 =	vld.idx.msk [tilespmem:v23+s10+$0x0], $0xffff  }
0x2a: {  	_ =	sdelay $0x3  }
0x2b: {  	v18 =	vadd.s32 s18, v0;
	s17 =	sadd.s32 $0x321, s16;
	v17 =	vld.idx.msk [tilespmem:v17+s10+$0x0], $0xffff  }
0x2c: {  	s29 =	sadd.s32 $0x641, s16;
	v11 =	vld.idx.msk [tilespmem:v11+s10+$0x0], $0xffff;
	v19 =	vadd.s32 s17, v0  }
0x2d: {  	v14 =	vld.idx.msk [tilespmem:v14+s10+$0x0], $0xffff;
	v20 =	vadd.s32 s29, v0  }
0x2e: {  	v7 =	vadd.f32 v7, v8;
	v8 =	vld.idx.msk [tilespmem:v16+s10+$0x0], $0xffff  }
0x2f: {  	v2 =	vadd.f32 v2, v12;
	v5 =	vld.idx.msk [tilespmem:v5+s10+$0x0], $0xffff  }
0x30: {  	v4 =	vadd.f32 v4, v13;
	v3 =	vadd.f32 v3, v7;
	v13 =	vld.idx.msk [tilespmem:v18+s10+$0x0], $0xffff  }
0x31: {  	v9 =	vadd.f32 v9, v15;
	v1 =	vadd.f32 v1, v2;
	v7 =	vld.idx.msk [tilespmem:v19+s10+$0x0], $0xffff  }
0x32: {  	v4 =	vadd.f32 v6, v4;
	v3 =	vadd.f32 v17, v3;
	v6 =	vld.idx.msk [tilespmem:v20+s10+$0x0], $0xffff  }
0x33: {  	v9 =	vadd.f32 v10, v9;
	v1 =	vadd.f32 v14, v1  }
0x34: {  	v2 =	vadd.f32 v8, v4;
	v3 =	vadd.f32 v11, v3  }
0x35: {  	v1 =	vadd.f32 v5, v1;
	v4 =	vadd.f32 v13, v9  }
0x36: {  	[tilespmem:$0x1900] =	vst v3;
	v2 =	vadd.f32 v7, v2  }
0x37: {  	s30 =	simm.s32 $0x15E1;
	[tilespmem:$0x1930] =	vst v1;
	v4 =	vadd.f32 v6, v4  }
0x38: {  	s31 =	simm.s32 $0x15E0;
	[tilespmem:$0x1910] =	vst v2;
	v2 =	vadd.s32 s30, v0  }
0x39: {  	s19 =	simm.s32 $0xFA0;
	v3 =	vadd.s32 s31, v0;
	[tilespmem:$0x1920] =	vst v4  }
0x3a: {  	s18 =	simm.s32 $0x12C0;
	v6 =	vadd.s32 s19, v0;
	_ =	swait.ge [sflag:s13], $0xC80  }
0x3b: {  	s20 =	simm.s32 $0xC80;
	v4 =	vadd.s32 s18, v0;
	[sflag:s13] =	ssyncset.done $0x0  }
0x3c: {  	s21 =	simm.s32 $0xFA1;
	v7 =	vadd.s32 s20, v0;
	[sflag:s13] =	ssyncadd.s32 $0xFFFFF380  }
0x3d: {  	s22 =	simm.s32 $0xC81;
	v8 =	vadd.s32 s21, v0;
	v1 =	vld.idx.msk [tilespmem:v2+s10+$0x0], $0xffff  }
0x3e: {  	s25 =	simm.s32 $0x15E2;
	v10 =	vadd.s32 s22, v0;
	v5 =	vld.idx.msk [tilespmem:v3+s10+$0x0], $0xffff  }
0x3f: {  	s23 =	simm.s32 $0x12C1;
	v3 =	vld.idx.msk [tilespmem:v6+s10+$0x0], $0xffff;
	v6 =	vadd.s32 s25, v0  }
0x40: {  	s24 =	simm.s32 $0x15E3;
	v11 =	vld.idx.msk [tilespmem:v4+s10+$0x0], $0xffff;
	v4 =	vadd.s32 s23, v0  }
0x41: {  	s26 =	simm.s32 $0x12C2;
	v14 =	vadd.s32 s24, v0;
	v9 =	vld.idx.msk [tilespmem:v7+s10+$0x0], $0xffff  }
0x42: {  	v15 =	vadd.s32 s26, v0;
	v2 =	vld.idx.msk [tilespmem:v8+s10+$0x0], $0xffff  }
0x43: {  	s28 =	simm.s32 $0xFA2;
	v7 =	vld.idx.msk [tilespmem:v10+s10+$0x0], $0xffff  }
0x44: {  	v16 =	vimm.f32 $0.0e+00;
	s29 =	simm.s32 $0xC82;
	s31 =	simm.s32 $0xC83;
	v13 =	vadd.s32 s28, v0;
	v6 =	vld.idx.msk [tilespmem:v6+s10+$0x0], $0xffff  }
0x45: {  	v17 =	vadd.s32 s29, v0;
	v19 =	vimm.f32 $0.0e+00;
	v18 =	vadd.s32 s31, v0;
	s30 =	simm.s32 $0xFA3;
	v8 =	vld.idx.msk [tilespmem:v4+s10+$0x0], $0xffff  }
0x46: {  	s16 =	simm.s32 $0x2;
	s17 =	simm.s32 $0x12C3;
	v12 =	vadd.s32 s30, v0;
	v10 =	vimm.f32 $0.0e+00;
	v4 =	vld.idx.msk [tilespmem:v14+s10+$0x0], $0xffff;
	v14 =	vimm.f32 $0.0e+00  }
.LBB2_4:
0x47: {  	s18 =	sadd.s32 $0x15E3, s16;
	v20 =	vld.idx.msk [tilespmem:v15+s10+$0x0], $0xffff;
	v21 =	vadd.s32 s17, v0;
	v10 =	vadd.f32 v9, v10;
	v15 =	vadd.f32 v3, v19  }
0x48: {  	s17 =	smov.u32 s16;
	s19 =	sadd.s32 $0x15E2, s16;
	v11 =	vadd.f32 v11, v16;
	v5 =	vadd.f32 v5, v14;
	v22 =	vadd.s32 s18, v0;
	s18 =	sadd.s32 $0x12C2, s16  }
0x49: {  	v3 =	vld.idx.msk [tilespmem:v13+s10+$0x0], $0xffff;
	v23 =	vadd.s32 s19, v0;
	s19 =	sadd.s32 $0xFA2, s16;
	v19 =	vadd.f32 v2, v15;
	v15 =	vadd.s32 s18, v0;
	s18 =	sadd.s32 $0xC82, s16;
	s16 =	sadd.s32 $0x2, s16  }
0x4a: {  	v9 =	vld.idx.msk [tilespmem:v17+s10+$0x0], $0xffff;
	v10 =	vadd.f32 v7, v10;
	p0 =	slt.u32 s16, $0x30  }
.Ltmp1:
0x4b: {  	v16 =	vadd.f32 v8, v11;
	v14 =	vadd.f32 v1, v5;
	v2 =	vld.idx.msk [tilespmem:v12+s10+$0x0], $0xffff;
	(pc) =	sbr.rel @p0 .LBB2_4-.Ltmp1, $4  }
0x4c: {  	v13 =	vadd.s32 s19, v0;
	v1 =	vmov v4;
	v7 =	vld.idx.msk [tilespmem:v18+s10+$0x0], $0xffff  }
0x4d: {  	v17 =	vadd.s32 s18, v0;
	s18 =	sadd.s32 $0xFA3, s17;
	v5 =	vmov v6;
	v8 =	vld.idx.msk [tilespmem:v21+s10+$0x0], $0xffff  }
0x4e: {  	s19 =	sadd.s32 $0xC83, s17;
	v12 =	vadd.s32 s18, v0;
	v11 =	vmov v20;
	v4 =	vld.idx.msk [tilespmem:v22+s10+$0x0], $0xffff  }
0x4f: {  	s17 =	sadd.s32 $0x12C3, s17;
	v18 =	vadd.s32 s19, v0;
	v6 =	vld.idx.msk [tilespmem:v23+s10+$0x0], $0xffff  }
0x50: {  	_ =	sdelay $0x3  }
0x51: {  	v15 =	vld.idx.msk [tilespmem:v15+s10+$0x0], $0xffff;
	v20 =	vadd.s32 s17, v0  }
0x52: {  	v17 =	vld.idx.msk [tilespmem:v17+s10+$0x0], $0xffff;
	v5 =	vadd.f32 v5, v14  }
0x53: {  	v9 =	vadd.f32 v9, v10;
	v60 =	vld.idx.msk [tilespmem:v13+s10+$0x0], $0xffff  }
0x54: {  	v3 =	vadd.f32 v3, v19;
	v61 =	vld.idx.msk [tilespmem:v18+s10+$0x0], $0xffff;
	v1 =	vadd.f32 v1, v5  }
0x55: {  	v11 =	vadd.f32 v11, v16;
	v62 =	vld.idx.msk [tilespmem:v12+s10+$0x0], $0xffff;
	v7 =	vadd.f32 v7, v9  }
0x56: {  	v2 =	vadd.f32 v2, v3;
	v1 =	vadd.f32 v6, v1;
	v3 =	vld.idx.msk [tilespmem:v20+s10+$0x0], $0xffff  }
0x57: {  	v8 =	vadd.f32 v8, v11;
	v7 =	vadd.f32 v17, v7  }
0x58: {  	v2 =	vadd.f32 v60, v2;
	v1 =	vadd.f32 v4, v1  }
0x59: {  	v63 =	vadd.f32 v15, v8;
	v7 =	vadd.f32 v61, v7  }
0x5a: {  	v2 =	vadd.f32 v62, v2;
	[tilespmem:$0x1970] =	vst v1  }
0x5b: {  	s15 =	sadd.s32 $0x1, s15;
	[tilespmem:$0x1940] =	vst v7;
	v3 =	vadd.f32 v3, v63  }
0x5c: {  	p0 =	sne.s32 s15, s7;
	[tilespmem:$0x1950] =	vst v2  }
.Ltmp2:
0x5d: {  	[tilespmem:$0x1960] =	vst v3;
	(pc) =	sbr.rel @p0 .LBB2_1-.Ltmp2, $4  }
0x5e: {  	[hbm4b:s6+s2] =	stream.linear.scatter [tilespmem:s14], [sflag:$0x3], $0x80, $0x38;
	[tilespmem:$0x3280] =	vst v63  }
0x5f: {  	_ =	swait.ge [sflag:s8], $0x80  }
0x60: {  	[sflag:s8] =	ssyncset.done $0x0  }
0x61: {  	[sflag:s8] =	ssyncadd.s32 $0xFFFFFF80  }
0x62: {  	_ =	sfence.sel $0x180000  }
0x63: {  	[bflag:$0x0] =	sbarrier.arrive $0xFFFF  }
0x64: {  	p0 =	sne.s32 s0, $0x0;
	_ =	strace $0x9000004A  }
0x65: {  	s0 =	sadd.s32 @!p0 $0x100000, s1;
	[bflag:$0x2] =	sbarrier.arrive $0xFFFF  }
0x66: {  	[sflag:s0] =	ssyncadd.tile.s32 @!p0 $0x1;
	_ =	shalt  }
.Lfunc_end2:
_tile_overlayer_lowered:
.L_overlay_start_2:
0x67: {  	(tag) =	ssettag $0x2  }
0x68: {  	s0 =	rddreg [dreg:$0x0];
	s2 =	stileid.u32  }
0x69: {  	s1 =	rddreg [dreg:$0x1];
	p0 =	sne.s32 s2, $0x0  }
0x6a: {  	s3 =	rddreg [dreg:$0x2];
	[bflag:$0x3] =	sbarrier.arrive $0xFFFF;
	s2 =	simm.s32 @!p0 $0x1C03  }
0x6b: {  	[timem:s3], [sflag:s2] =	dma.local @!p0 [hbm:s0], s1  }
0x6c: {  	s0 =	simm.s32 @!p0 $0x3  }
0x6d: {  	_ =	swait.ge @!p0 [sflag:s0], s1  }
0x6e: {  	s1 =	ssub.s32 @!p0 $0x0, s1;
	[sflag:s0] =	ssyncset.done @!p0 $0x0  }
0x6f: {  	[sflag:s0] =	ssyncadd.s32 @!p0 s1  }
0x70: {  	[bflag:$0x3] =	sbarrier.arrive $0xFFFF  }
0x71: {  	_ =	shalt  }

</sc_bundles>
